<compile_context>
chip_gen: v7x
topology: tpu7x:2x2x1
jax: 0.10.2.dev20260603
libtpu: 0.0.44.dev20260713+nightly
codegen_flags: <defaults>
</compile_context>

<pallas_src>
import functools

import jax
import jax.numpy as jnp
from jax import lax
from jax.experimental import pallas as pl
from jax.experimental.pallas import tpu as pltpu
from jax.experimental.pallas import tpu_sc as plsc

NHEAD = 8
DIM = 32
TOPK = 16
HC = 32
LC = HC * HC
HF = 64
LF = HF * HF
CDIM = 4 * DIM
SCALE_F = 1.0 / (DIM ** 0.5)

ROWBLK = 256
CELLBLK = 128

NGRP = 1
GH = NHEAD // NGRP
NWORK = 32
NIDX = GH * LC * TOPK
ROWS_PER_W = NIDX // NWORK
CHUNK = 128
NCHUNK = ROWS_PER_W // CHUNK



def _coarse_body(q_ref, k_ref, v_ref, msg_ref, idx_ref):
    h = pl.program_id(0)
    qd = q_ref[0]
    kd = k_ref[0]
    vd = v_ref[0]
    s = lax.dot_general(qd, kd, (((0,), (0,)), ((), ())),
                        preferred_element_type=jnp.float32) * SCALE_F
    m = jnp.max(s, axis=1, keepdims=True)
    e = jnp.exp(s - m)
    z = jnp.sum(e, axis=1, keepdims=True)
    msg_ref[0] = lax.dot_general(e, vd, (((1,), (1,)), ((), ())),
                                 preferred_element_type=jnp.float32) / z

    iota = lax.broadcasted_iota(jnp.int32, (ROWBLK, LC), 1).astype(jnp.float32)
    w = e
    cols = []
    for _ in range(TOPK):
        mj = jnp.max(w, axis=1, keepdims=True)
        ij = jnp.min(jnp.where(w == mj, iota, float(LC)), axis=1,
                     keepdims=True)
        cols.append(ij)
        w = jnp.where(iota == ij, -1.0, w)
    idx = jnp.concatenate(cols, axis=1).astype(jnp.int32)
    idx_ref[0] = idx + h * LC


def _coarse_call(qd, kd, vd):
    grid = (GH, LC // ROWBLK)
    return pl.pallas_call(
        _coarse_body,
        grid=grid,
        in_specs=[
            pl.BlockSpec((1, DIM, ROWBLK), lambda h, r: (h, 0, r)),
            pl.BlockSpec((1, DIM, LC), lambda h, r: (h, 0, 0)),
            pl.BlockSpec((1, DIM, LC), lambda h, r: (h, 0, 0)),
        ],
        out_specs=[
            pl.BlockSpec((1, ROWBLK, DIM), lambda h, r: (h, r, 0)),
            pl.BlockSpec((1, ROWBLK, TOPK), lambda h, r: (h, r, 0)),
        ],
        out_shape=[
            jax.ShapeDtypeStruct((GH, LC, DIM), jnp.float32),
            jax.ShapeDtypeStruct((GH, LC, TOPK), jnp.int32),
        ],
    )(qd, kd, vd)



def _sc_gather_body(tk, tv, idx_hbm, outk, outv,
                    idx0, idx1, kb0, kb1, vb0, vb1,
                    semg0, semg1, semw0, semw1):
    wid = lax.axis_index("s") * 2 + lax.axis_index("c")
    base = wid * ROWS_PER_W
    idxs = (idx0, idx1)
    kbs = (kb0, kb1)
    vbs = (vb0, vb1)
    semg = (semg0, semg1)
    semw = (semw0, semw1)

    pltpu.sync_copy(idx_hbm.at[pl.ds(base, CHUNK)], idx0)
    pltpu.async_copy(tk.at[idx0], kb0, semg0)
    pltpu.async_copy(tv.at[idx0], vb0, semg0)

    def pair(i2, carry):
        for b in range(2):
            i = i2 * 2 + b
            nb = 1 - b

            @pl.when(i > 0)
            def _():
                pltpu.make_async_copy(kbs[nb], outk.at[pl.ds(0, CHUNK)],
                                      semw[nb]).wait()
                pltpu.make_async_copy(vbs[nb], outv.at[pl.ds(0, CHUNK)],
                                      semw[nb]).wait()

            @pl.when(i + 1 < NCHUNK)
            def _():
                off1 = base + (i + 1) * CHUNK
                pltpu.sync_copy(idx_hbm.at[pl.ds(off1, CHUNK)], idxs[nb])
                pltpu.async_copy(tk.at[idxs[nb]], kbs[nb], semg[nb])
                pltpu.async_copy(tv.at[idxs[nb]], vbs[nb], semg[nb])

            pltpu.make_async_copy(tk.at[idxs[b]], kbs[b], semg[b]).wait()
            pltpu.make_async_copy(tv.at[idxs[b]], vbs[b], semg[b]).wait()
            off = base + i * CHUNK
            pltpu.async_copy(kbs[b], outk.at[pl.ds(off, CHUNK)], semw[b])
            pltpu.async_copy(vbs[b], outv.at[pl.ds(off, CHUNK)], semw[b])
        return carry

    lax.fori_loop(0, NCHUNK // 2, pair, 0)

    pltpu.make_async_copy(kb1, outk.at[pl.ds(0, CHUNK)], semw1).wait()
    pltpu.make_async_copy(vb1, outv.at[pl.ds(0, CHUNK)], semw1).wait()


def _sc_gather_call(table_k, table_v, gidx):
    mesh = plsc.VectorSubcoreMesh(core_axis_name="c", subcore_axis_name="s")
    kfn = functools.partial(
        pl.kernel,
        mesh=mesh,
        out_type=[
            jax.ShapeDtypeStruct((NIDX, CDIM), jnp.float32),
            jax.ShapeDtypeStruct((NIDX, CDIM), jnp.float32),
        ],
        scratch_types=[
            pltpu.VMEM((CHUNK,), jnp.int32),
            pltpu.VMEM((CHUNK,), jnp.int32),
            pltpu.VMEM((CHUNK, CDIM), jnp.float32),
            pltpu.VMEM((CHUNK, CDIM), jnp.float32),
            pltpu.VMEM((CHUNK, CDIM), jnp.float32),
            pltpu.VMEM((CHUNK, CDIM), jnp.float32),
            pltpu.SemaphoreType.DMA,
            pltpu.SemaphoreType.DMA,
            pltpu.SemaphoreType.DMA,
            pltpu.SemaphoreType.DMA,
        ],
    )(_sc_gather_body)
    return kfn(table_k, table_v, gidx)



def _fine_body(q_ref, k_ref, v_ref, m1_ref, w_ref, out_ref):
    h = pl.program_id(1)
    kg = k_ref[...].reshape(CELLBLK, TOPK, CDIM)
    vg = v_ref[...].reshape(CELLBLK, TOPK, CDIM)
    m1 = m1_ref[0]
    w0 = w_ref[0, 0]
    w1 = w_ref[0, 1]
    base = w0 * m1

    grp = lax.broadcasted_iota(jnp.int32, (CDIM, 4), 0) // DIM
    gcol = lax.broadcasted_iota(jnp.int32, (CDIM, 4), 1)
    selg = (grp == gcol).astype(jnp.float32)
    lane = lax.broadcasted_iota(jnp.int32, (CDIM, DIM), 0) % DIM
    dcol = lax.broadcasted_iota(jnp.int32, (CDIM, DIM), 1)
    seld = (lane == dcol).astype(jnp.float32)
    seldT = seld.T
    selgT = selg.T

    for t in range(4):
        qt = q_ref[0, t] * SCALE_F
        qrep = jnp.dot(qt, seldT, preferred_element_type=jnp.float32)
        prod = (kg * qrep[:, None, :]).reshape(CELLBLK * TOPK, CDIM)
        st = jnp.dot(jnp.dot(prod, selg, preferred_element_type=jnp.float32),
                     selgT, preferred_element_type=jnp.float32)
        st = st.reshape(CELLBLK, TOPK, CDIM)
        mt = jnp.max(jnp.max(st, axis=2, keepdims=True), axis=1, keepdims=True)
        et = jnp.exp(st - mt)
        zt = jnp.sum(jnp.sum(et, axis=2, keepdims=True), axis=1, keepdims=True)
        mm = jnp.sum(et * vg, axis=1)
        msg = jnp.dot(mm, seld, preferred_element_type=jnp.float32) \
            * (DIM / zt[:, 0])
        x, y = divmod(t, 2)
        out_ref[:, x, :, y, h, :] = (base + w1 * msg).reshape(4, HC, DIM)


def _fine_call(qg_t, outk, outv, msg1, wgt):
    nblk = LC // CELLBLK
    grid = (nblk, GH)
    return pl.pallas_call(
        _fine_body,
        grid=grid,
        in_specs=[
            pl.BlockSpec((1, 4, CELLBLK, DIM), lambda c, h: (h, 0, c, 0)),
            pl.BlockSpec((CELLBLK * TOPK, CDIM), lambda c, h: (h * nblk + c, 0)),
            pl.BlockSpec((CELLBLK * TOPK, CDIM), lambda c, h: (h * nblk + c, 0)),
            pl.BlockSpec((1, CELLBLK, DIM), lambda c, h: (h, c, 0)),
            pl.BlockSpec(memory_space=pltpu.SMEM),
        ],
        out_specs=pl.BlockSpec((4, 2, HC, 2, GH, DIM),
                               lambda c, h: (c, 0, 0, 0, 0, 0)),
        out_shape=jax.ShapeDtypeStruct((HC, 2, HC, 2, GH, DIM), jnp.float32),
    )(qg_t, outk, outv, msg1, wgt)



def _cell_rows(x):
    x = x.reshape(GH, DIM, HC, 2, HC, 2)
    x = jnp.transpose(x, (0, 2, 4, 3, 5, 1))
    return x.reshape(GH * LC, CDIM)


def kernel(q0, q1, k0, k1, v0, v1, weight):
    qd = q1.reshape(NHEAD, DIM, LC)
    kd = k1.reshape(NHEAD, DIM, LC)
    vd = v1.reshape(NHEAD, DIM, LC)
    q0r = q0.reshape(NHEAD, DIM, HC, 2, HC, 2)
    k0r = k0.reshape(NHEAD * DIM, HF, HF)
    v0r = v0.reshape(NHEAD * DIM, HF, HF)
    wgt = jax.nn.softmax(weight).reshape(1, 2)

    coarse = [
        _coarse_call(qd[g * GH:(g + 1) * GH],
                     kd[g * GH:(g + 1) * GH],
                     vd[g * GH:(g + 1) * GH])
        for g in range(NGRP)
    ]
    gath = [
        _sc_gather_call(_cell_rows(k0r[g * GH * DIM:(g + 1) * GH * DIM]),
                        _cell_rows(v0r[g * GH * DIM:(g + 1) * GH * DIM]),
                        coarse[g][1].reshape(-1))
        for g in range(NGRP)
    ]
    outs = []
    for g in range(NGRP):
        q0g = q0r[g * GH:(g + 1) * GH]
        qg_t = jnp.transpose(q0g, (0, 3, 5, 2, 4, 1)).reshape(GH, 4, LC, DIM)
        outk, outv = gath[g]
        outs.append(_fine_call(qg_t, outk, outv, coarse[g][0], wgt))

    out = outs[0] if NGRP == 1 else jnp.concatenate(outs, axis=4)
    return out.reshape(1, LF, NHEAD, DIM)

# --- scband reference (transcript-rebuilt; emitter-appended) ---
"""Pipeline reference for scband-qtatt-b-21620865368154 (READ-ONLY COPY).

The authoritative reference and input builder live on the scoring server;
editing this copy changes nothing except your own understanding.
"""

import jax, jax.numpy as jnp
import numpy as np

NHEAD = 8
DIM = 32
SCALE = 2
TOPKS = [16, 16]
B = 1
H0, W0 = 64, 64
H1, W1 = 32, 32


def setup_inputs(seed: int = 0):
    key = jax.random.key(seed)
    ks = jax.random.split(key, 7)
    C = NHEAD * DIM
    return {
        'q0': jax.random.normal(ks[0], (B, C, H0, W0), jnp.float32),
        'q1': jax.random.normal(ks[1], (B, C, H1, W1), jnp.float32),
        'k0': jax.random.normal(ks[2], (B, C, H0, W0), jnp.float32),
        'k1': jax.random.normal(ks[3], (B, C, H1, W1), jnp.float32),
        'v0': jax.random.normal(ks[4], (B, C, H0, W0), jnp.float32),
        'v1': jax.random.normal(ks[5], (B, C, H1, W1), jnp.float32),
        'weight': jax.random.normal(ks[6], (SCALE,), jnp.float32),
    }


def _tokens(x):
    b, c, h, w = x.shape
    d = c // NHEAD
    return jnp.transpose(x, (0, 2, 3, 1)).reshape(b, h * w, NHEAD, d)


def _topk_dim_m2(A, k):
    # top-k along axis -2 (matches torch.topk(A, dim=-2))
    At = jnp.swapaxes(A, -1, -2)
    vals, idxs = jax.lax.top_k(At, k)
    return jnp.swapaxes(vals, -1, -2), jnp.swapaxes(idxs, -1, -2)


def _score_computation(q, k, idx):
    # q: [b, L, 4, H, d]; k: [b, S, H, d]; idx: [b, L, K, H]
    b, L, K, H = idx.shape
    bi = jnp.arange(b)[:, None, None, None]
    hi = jnp.arange(H)[None, None, None, :]
    kg = k[bi, idx, hi]  # [b, L, K, H, d]
    return jnp.einsum('blthd,blkhd->bltkh', q, kg)


def _value_aggregation(A, v, idx):
    # A: [b, L, 4, K, H]; v: [b, S, H, d]; idx: [b, L, 4, K, H]
    b, L, T, K, H = idx.shape
    bi = jnp.arange(b)[:, None, None, None, None]
    hi = jnp.arange(H)[None, None, None, None, :]
    vg = v[bi, idx, hi]  # [b, L, 4, K, H, d]
    return jnp.einsum('bltkh,bltkhd->blthd', A, vg)


def _process_coarse(q, k, v, topk):
    b, c, h, w = k.shape
    d = c // NHEAD
    qt, kt, vt = _tokens(q), _tokens(k), _tokens(v)
    QK = jnp.einsum('nlhd,nshd->nlsh', qt, kt) * (1.0 / d ** 0.5)
    A = jax.nn.softmax(QK, axis=-2)
    topk_score, topk_idx = _topk_dim_m2(A, topk)
    message = jnp.einsum('nlsh,nshd->nlhd', A, vt)
    return A, message, topk_score, topk_idx


def _process_fine(q, k, v, topk_pos, topk_prev, topk):
    b, c, h0, w0 = q.shape
    _, _, h1, w1 = k.shape
    d = c // NHEAD
    kt, vt = _tokens(k), _tokens(v)
    qg = q.reshape(b, c, h0 // 2, 2, w0 // 2, 2)
    qg = jnp.transpose(qg, (0, 2, 4, 3, 5, 1)).reshape(b, (h0 // 2) * (w0 // 2), 4, NHEAD, d)
    tp = topk_pos * 2
    idx_list = []
    for x in [0, 1]:
        for y in [0, 1]:
            idx_list.append((tp[0] + x) * w1 + tp[1] + y)
    idx = jnp.stack(idx_list, axis=3)  # [b, l, topk_prev, 4, H]
    idx = idx.reshape(b, -1, topk_prev * 4, NHEAD)
    QK = _score_computation(qg, kt, idx) * (1.0 / d ** 0.5)
    L = idx.shape[1]
    idx_e = jnp.broadcast_to(idx[:, :, None, :, :], (b, L, 4, topk_prev * 4, NHEAD))
    A = jax.nn.softmax(QK, axis=-2)
    topk_score, topk_idx = _topk_dim_m2(A, topk)
    message = _value_aggregation(A, vt, idx_e)
    topk_idx = jnp.take_along_axis(idx_e, topk_idx, axis=3)
    K = topk_idx.shape[3]
    ti = topk_idx.reshape(b, h0 // 2, w0 // 2, 2, 2, K, NHEAD)
    ti = jnp.transpose(ti, (0, 1, 3, 2, 4, 5, 6)).reshape(b, h0 * w0, K, NHEAD)
    ts = topk_score.reshape(b, h0 // 2, w0 // 2, 2, 2, K, NHEAD)
    ts = jnp.transpose(ts, (0, 1, 3, 2, 4, 5, 6)).reshape(b, h0 * w0, K, NHEAD)
    return A, message, ts, ti


def _forward(q0, q1, k0, k1, v0, v1, weight):
    queries = [q0, q1]
    keys = [k0, k1]
    values = [v0, v1]
    messages = []
    topk = TOPKS[0]
    topk_pos = None
    for i in range(SCALE):
        q = queries[SCALE - 1 - i]
        k = keys[SCALE - 1 - i]
        v = values[SCALE - 1 - i]
        w = k.shape[3]
        if i == 0:
            A, message, topk_score, topk_idx = _process_coarse(q, k, v, topk)
        else:
            topk_prev = topk
            topk = TOPKS[i]
            A, message, topk_score, topk_idx = _process_fine(q, k, v, topk_pos, topk_prev, topk)
        messages.append(message)
        topk_pos = jnp.stack([topk_idx // w, topk_idx % w])
    wgt = jax.nn.softmax(weight, axis=0)
    final = messages[0] * wgt[0]
    for i in range(1, SCALE):
        m = messages[i]
        final = final[:, :, None] + m * wgt[i]
        Hc = queries[SCALE - i].shape[2]
        b, L4 = final.shape[0], final.shape[1]
        nh, d = final.shape[3], final.shape[4]
        Wc = L4 // Hc
        final = final.reshape(b, Hc, Wc, 2, 2, nh, d)
        final = jnp.transpose(final, (0, 1, 3, 2, 4, 5, 6)).reshape(b, Hc * 2 * Wc * 2, nh, d)
    return final


def reference(q0, q1, k0, k1, v0, v1, weight):
    return _forward(q0, q1, k0, k1, v0, v1, weight)

if __name__ == "__main__":
    import jax
    _d = setup_inputs()
    print(jax.jit(kernel)(*tuple(_d.values())))

</pallas_src>

<mosaic_0001>
#map = affine_map<(d0, d1) -> (0, 0)>
#map1 = affine_map<(d0, d1) -> (0)>
module attributes {stable_mosaic.version = 14 : i64} {
  func.func @_sc_gather_body(%arg0: i32, %arg1: i32, %arg2: memref<8192x128xf32, #tpu.memory_space<hbm>>, %arg3: memref<8192x128xf32, #tpu.memory_space<hbm>>, %arg4: memref<131072xi32, #tpu.memory_space<hbm>>, %arg5: memref<131072x128xf32, #tpu.memory_space<hbm>>, %arg6: memref<131072x128xf32, #tpu.memory_space<hbm>>, %arg7: memref<128xi32, #tpu.memory_space<vmem>>, %arg8: memref<128xi32, #tpu.memory_space<vmem>>, %arg9: memref<128x128xf32, #tpu.memory_space<vmem>>, %arg10: memref<128x128xf32, #tpu.memory_space<vmem>>, %arg11: memref<128x128xf32, #tpu.memory_space<vmem>>, %arg12: memref<128x128xf32, #tpu.memory_space<vmem>>, %arg13: memref<!tpu.dma_semaphore, #tpu.memory_space<semaphore_mem>>, %arg14: memref<!tpu.dma_semaphore, #tpu.memory_space<semaphore_mem>>, %arg15: memref<!tpu.dma_semaphore, #tpu.memory_space<semaphore_mem>>, %arg16: memref<!tpu.dma_semaphore, #tpu.memory_space<semaphore_mem>>) attributes {dimension_semantics = [#tpu.dimension_semantics<core_parallel>, #tpu.dimension_semantics<subcore_parallel>], iteration_bounds = array<i64: 2, 16>, scalar_prefetch = 0 : i64, scratch_operands = 10 : i64, tpu.core_type = #tpu.core_type<sc_vector_subcore>, window_params = [{transform_indices = #map}, {transform_indices = #map}, {transform_indices = #map1}, {transform_indices = #map}, {transform_indices = #map}]} {
    %mul3A = arith.constant 2 : i32
    %mul3A_0 = arith.muli %arg1, %mul3A : i32
    %add3A = arith.addi %mul3A_0, %arg0 : i32
    %mul3A_1 = arith.constant 4096 : i32
    %mul3A_2 = arith.muli %add3A, %mul3A_1 : i32
    "tpu.region"() ({
      %run_scoped3A = tpu.sem_alloc : memref<!tpu.dma_semaphore, #tpu.memory_space<semaphore_mem>>
      %dma_start3A_24 = tpu.memref_slice %arg4[%mul3A_2] : memref<131072xi32, #tpu.memory_space<hbm>> -> memref<128xi32, #tpu.memory_space<hbm>>
      %dma_start3A_25 = tpu.memref_slice %arg4[%mul3A_2] : memref<131072xi32, #tpu.memory_space<hbm>> -> memref<128xi32, #tpu.memory_space<hbm>>
      tpu.enqueue_dma source(%dma_start3A_25 : memref<128xi32, #tpu.memory_space<hbm>>) target(%arg7 : memref<128xi32, #tpu.memory_space<vmem>>) target_semaphore(%run_scoped3A : memref<!tpu.dma_semaphore, #tpu.memory_space<semaphore_mem>>)
      %dma_wait3A_26 = tpu.memref_slice %arg4[%mul3A_2] : memref<131072xi32, #tpu.memory_space<hbm>> -> memref<128xi32, #tpu.memory_space<hbm>>
      %dma_wait3A_27 = tpu.memref_slice %arg4[%mul3A_2] : memref<131072xi32, #tpu.memory_space<hbm>> -> memref<128xi32, #tpu.memory_space<hbm>>
      tpu.wait_dma2 semaphore(%run_scoped3A : memref<!tpu.dma_semaphore, #tpu.memory_space<semaphore_mem>>) src(%dma_wait3A_27 : memref<128xi32, #tpu.memory_space<hbm>>) dst(%arg7 : memref<128xi32, #tpu.memory_space<vmem>>)
      tpu.yield
    }) : () -> ()
    %dma_start3A = arith.constant 0 : i32
    %dma_start3A_3 = arith.constant 0 : i32
    %dma_start3A_4 = tpu.memref_slice %arg2[%dma_start3A, %dma_start3A_3] : memref<8192x128xf32, #tpu.memory_space<hbm>> -> memref<8192x128xf32, #tpu.memory_space<hbm>>
    tpu.enqueue_indirect_dma source(%dma_start3A_4 : memref<8192x128xf32, #tpu.memory_space<hbm>>) target(%arg9 : memref<128x128xf32, #tpu.memory_space<vmem>>) offsets(%arg7 : memref<128xi32, #tpu.memory_space<vmem>>) semaphore(%arg13 : memref<!tpu.dma_semaphore, #tpu.memory_space<semaphore_mem>>)
    %dma_start3A_5 = arith.constant 0 : i32
    %dma_start3A_6 = arith.constant 0 : i32
    %dma_start3A_7 = tpu.memref_slice %arg3[%dma_start3A_5, %dma_start3A_6] : memref<8192x128xf32, #tpu.memory_space<hbm>> -> memref<8192x128xf32, #tpu.memory_space<hbm>>
    tpu.enqueue_indirect_dma source(%dma_start3A_7 : memref<8192x128xf32, #tpu.memory_space<hbm>>) target(%arg11 : memref<128x128xf32, #tpu.memory_space<vmem>>) offsets(%arg7 : memref<128xi32, #tpu.memory_space<vmem>>) semaphore(%arg13 : memref<!tpu.dma_semaphore, #tpu.memory_space<semaphore_mem>>)
    %scan3A = arith.constant 0 : i32
    %scan3A_8 = arith.constant 0 : i32
    %scan3A_9 = arith.constant 16 : i32
    %scan3A_10 = arith.addi %scan3A_8, %scan3A_9 : i32
    %scan3A_11 = arith.constant 1 : i32
    scf.for %scan3A_24 = %scan3A_8 to %scan3A_10 step %scan3A_11  : i32 {
      %mul3A_25 = arith.constant 2 : i32
      %mul3A_26 = arith.muli %scan3A_24, %mul3A_25 : i32
      %add3A_27 = arith.constant 0 : i32
      %add3A_28 = arith.addi %mul3A_26, %add3A_27 : i32
      %gt3A = arith.constant 0 : i32
      %gt3A_29 = arith.cmpi sgt, %add3A_28, %gt3A : i32
      %convert_element_type3A = arith.extui %gt3A_29 : i1 to i32
      %cond3A = arith.constant 0 : i32
      %cond3A_30 = arith.cmpi ne, %convert_element_type3A, %cond3A : i32
      scf.if %cond3A_30 {
        %dma_wait3A_87 = arith.constant 0 : i32
        %dma_wait3A_88 = arith.constant 0 : i32
        %dma_wait3A_89 = tpu.memref_slice %arg5[%dma_wait3A_87, %dma_wait3A_88] : memref<131072x128xf32, #tpu.memory_space<hbm>> -> memref<128x128xf32, #tpu.memory_space<hbm>>
        %dma_wait3A_90 = arith.constant 0 : i32
        %dma_wait3A_91 = arith.constant 0 : i32
        %dma_wait3A_92 = tpu.memref_slice %arg5[%dma_wait3A_90, %dma_wait3A_91] : memref<131072x128xf32, #tpu.memory_space<hbm>> -> memref<128x128xf32, #tpu.memory_space<hbm>>
        tpu.wait_dma2 semaphore(%arg16 : memref<!tpu.dma_semaphore, #tpu.memory_space<semaphore_mem>>) src(%arg10 : memref<128x128xf32, #tpu.memory_space<vmem>>) dst(%dma_wait3A_92 : memref<128x128xf32, #tpu.memory_space<hbm>>)
        %dma_wait3A_93 = arith.constant 0 : i32
        %dma_wait3A_94 = arith.constant 0 : i32
        %dma_wait3A_95 = tpu.memref_slice %arg6[%dma_wait3A_93, %dma_wait3A_94] : memref<131072x128xf32, #tpu.memory_space<hbm>> -> memref<128x128xf32, #tpu.memory_space<hbm>>
        %dma_wait3A_96 = arith.constant 0 : i32
        %dma_wait3A_97 = arith.constant 0 : i32
        %dma_wait3A_98 = tpu.memref_slice %arg6[%dma_wait3A_96, %dma_wait3A_97] : memref<131072x128xf32, #tpu.memory_space<hbm>> -> memref<128x128xf32, #tpu.memory_space<hbm>>
        tpu.wait_dma2 semaphore(%arg16 : memref<!tpu.dma_semaphore, #tpu.memory_space<semaphore_mem>>) src(%arg12 : memref<128x128xf32, #tpu.memory_space<vmem>>) dst(%dma_wait3A_98 : memref<128x128xf32, #tpu.memory_space<hbm>>)
      } else {
      }
      %add3A_31 = arith.constant 1 : i32
      %add3A_32 = arith.addi %add3A_28, %add3A_31 : i32
      %lt3A = arith.constant 32 : i32
      %lt3A_33 = arith.cmpi slt, %add3A_32, %lt3A : i32
      %convert_element_type3A_34 = arith.extui %lt3A_33 : i1 to i32
      %cond3A_35 = arith.constant 0 : i32
      %cond3A_36 = arith.cmpi ne, %convert_element_type3A_34, %cond3A_35 : i32
      scf.if %cond3A_36 {
        %add3A_87 = arith.constant 1 : i32
        %add3A_88 = arith.addi %add3A_28, %add3A_87 : i32
        %mul3A_89 = arith.constant 128 : i32
        %mul3A_90 = arith.muli %add3A_88, %mul3A_89 : i32
        %add3A_91 = arith.addi %mul3A_2, %mul3A_90 : i32
        "tpu.region"() ({
          %run_scoped3A = tpu.sem_alloc : memref<!tpu.dma_semaphore, #tpu.memory_space<semaphore_mem>>
          %dma_start3A_98 = tpu.memref_slice %arg4[%add3A_91] : memref<131072xi32, #tpu.memory_space<hbm>> -> memref<128xi32, #tpu.memory_space<hbm>>
          %dma_start3A_99 = tpu.memref_slice %arg4[%add3A_91] : memref<131072xi32, #tpu.memory_space<hbm>> -> memref<128xi32, #tpu.memory_space<hbm>>
          tpu.enqueue_dma source(%dma_start3A_99 : memref<128xi32, #tpu.memory_space<hbm>>) target(%arg8 : memref<128xi32, #tpu.memory_space<vmem>>) target_semaphore(%run_scoped3A : memref<!tpu.dma_semaphore, #tpu.memory_space<semaphore_mem>>)
          %dma_wait3A_100 = tpu.memref_slice %arg4[%add3A_91] : memref<131072xi32, #tpu.memory_space<hbm>> -> memref<128xi32, #tpu.memory_space<hbm>>
          %dma_wait3A_101 = tpu.memref_slice %arg4[%add3A_91] : memref<131072xi32, #tpu.memory_space<hbm>> -> memref<128xi32, #tpu.memory_space<hbm>>
          tpu.wait_dma2 semaphore(%run_scoped3A : memref<!tpu.dma_semaphore, #tpu.memory_space<semaphore_mem>>) src(%dma_wait3A_101 : memref<128xi32, #tpu.memory_space<hbm>>) dst(%arg8 : memref<128xi32, #tpu.memory_space<vmem>>)
          tpu.yield
        }) : () -> ()
        %dma_start3A_92 = arith.constant 0 : i32
        %dma_start3A_93 = arith.constant 0 : i32
        %dma_start3A_94 = tpu.memref_slice %arg2[%dma_start3A_92, %dma_start3A_93] : memref<8192x128xf32, #tpu.memory_space<hbm>> -> memref<8192x128xf32, #tpu.memory_space<hbm>>
        tpu.enqueue_indirect_dma source(%dma_start3A_94 : memref<8192x128xf32, #tpu.memory_space<hbm>>) target(%arg10 : memref<128x128xf32, #tpu.memory_space<vmem>>) offsets(%arg8 : memref<128xi32, #tpu.memory_space<vmem>>) semaphore(%arg14 : memref<!tpu.dma_semaphore, #tpu.memory_space<semaphore_mem>>)
        %dma_start3A_95 = arith.constant 0 : i32
        %dma_start3A_96 = arith.constant 0 : i32
        %dma_start3A_97 = tpu.memref_slice %arg3[%dma_start3A_95, %dma_start3A_96] : memref<8192x128xf32, #tpu.memory_space<hbm>> -> memref<8192x128xf32, #tpu.memory_space<hbm>>
        tpu.enqueue_indirect_dma source(%dma_start3A_97 : memref<8192x128xf32, #tpu.memory_space<hbm>>) target(%arg12 : memref<128x128xf32, #tpu.memory_space<vmem>>) offsets(%arg8 : memref<128xi32, #tpu.memory_space<vmem>>) semaphore(%arg14 : memref<!tpu.dma_semaphore, #tpu.memory_space<semaphore_mem>>)
      } else {
      }
      %dma_wait3A_37 = arith.constant 0 : i32
      %dma_wait3A_38 = arith.constant 0 : i32
      %dma_wait3A_39 = tpu.memref_slice %arg2[%dma_wait3A_37, %dma_wait3A_38] : memref<8192x128xf32, #tpu.memory_space<hbm>> -> memref<8192x128xf32, #tpu.memory_space<hbm>>
      tpu.wait_indirect_dma semaphore(%arg13 : memref<!tpu.dma_semaphore, #tpu.memory_space<semaphore_mem>>) src(%dma_wait3A_39 : memref<8192x128xf32, #tpu.memory_space<hbm>>) dst(%arg9 : memref<128x128xf32, #tpu.memory_space<vmem>>)
      %dma_wait3A_40 = arith.constant 0 : i32
      %dma_wait3A_41 = arith.constant 0 : i32
      %dma_wait3A_42 = tpu.memref_slice %arg3[%dma_wait3A_40, %dma_wait3A_41] : memref<8192x128xf32, #tpu.memory_space<hbm>> -> memref<8192x128xf32, #tpu.memory_space<hbm>>
      tpu.wait_indirect_dma semaphore(%arg13 : memref<!tpu.dma_semaphore, #tpu.memory_space<semaphore_mem>>) src(%dma_wait3A_42 : memref<8192x128xf32, #tpu.memory_space<hbm>>) dst(%arg11 : memref<128x128xf32, #tpu.memory_space<vmem>>)
      %mul3A_43 = arith.constant 128 : i32
      %mul3A_44 = arith.muli %add3A_28, %mul3A_43 : i32
      %add3A_45 = arith.addi %mul3A_2, %mul3A_44 : i32
      %dma_start3A_46 = arith.constant 0 : i32
      %dma_start3A_47 = tpu.memref_slice %arg5[%add3A_45, %dma_start3A_46] : memref<131072x128xf32, #tpu.memory_space<hbm>> -> memref<128x128xf32, #tpu.memory_space<hbm>>
      %dma_start3A_48 = arith.constant 0 : i32
      %dma_start3A_49 = tpu.memref_slice %arg5[%add3A_45, %dma_start3A_48] : memref<131072x128xf32, #tpu.memory_space<hbm>> -> memref<128x128xf32, #tpu.memory_space<hbm>>
      tpu.enqueue_dma source(%arg9 : memref<128x128xf32, #tpu.memory_space<vmem>>) target(%dma_start3A_49 : memref<128x128xf32, #tpu.memory_space<hbm>>) target_semaphore(%arg15 : memref<!tpu.dma_semaphore, #tpu.memory_space<semaphore_mem>>)
      %dma_start3A_50 = arith.constant 0 : i32
      %dma_start3A_51 = tpu.memref_slice %arg6[%add3A_45, %dma_start3A_50] : memref<131072x128xf32, #tpu.memory_space<hbm>> -> memref<128x128xf32, #tpu.memory_space<hbm>>
      %dma_start3A_52 = arith.constant 0 : i32
      %dma_start3A_53 = tpu.memref_slice %arg6[%add3A_45, %dma_start3A_52] : memref<131072x128xf32, #tpu.memory_space<hbm>> -> memref<128x128xf32, #tpu.memory_space<hbm>>
      tpu.enqueue_dma source(%arg11 : memref<128x128xf32, #tpu.memory_space<vmem>>) target(%dma_start3A_53 : memref<128x128xf32, #tpu.memory_space<hbm>>) target_semaphore(%arg15 : memref<!tpu.dma_semaphore, #tpu.memory_space<semaphore_mem>>)
      %mul3A_54 = arith.constant 2 : i32
      %mul3A_55 = arith.muli %scan3A_24, %mul3A_54 : i32
      %add3A_56 = arith.constant 1 : i32
      %add3A_57 = arith.addi %mul3A_55, %add3A_56 : i32
      %gt3A_58 = arith.constant 0 : i32
      %gt3A_59 = arith.cmpi sgt, %add3A_57, %gt3A_58 : i32
      %convert_element_type3A_60 = arith.extui %gt3A_59 : i1 to i32
      %cond3A_61 = arith.constant 0 : i32
      %cond3A_62 = arith.cmpi ne, %convert_element_type3A_60, %cond3A_61 : i32
      scf.if %cond3A_62 {
        %dma_wait3A_87 = arith.constant 0 : i32
        %dma_wait3A_88 = arith.constant 0 : i32
        %dma_wait3A_89 = tpu.memref_slice %arg5[%dma_wait3A_87, %dma_wait3A_88] : memref<131072x128xf32, #tpu.memory_space<hbm>> -> memref<128x128xf32, #tpu.memory_space<hbm>>
        %dma_wait3A_90 = arith.constant 0 : i32
        %dma_wait3A_91 = arith.constant 0 : i32
        %dma_wait3A_92 = tpu.memref_slice %arg5[%dma_wait3A_90, %dma_wait3A_91] : memref<131072x128xf32, #tpu.memory_space<hbm>> -> memref<128x128xf32, #tpu.memory_space<hbm>>
        tpu.wait_dma2 semaphore(%arg15 : memref<!tpu.dma_semaphore, #tpu.memory_space<semaphore_mem>>) src(%arg9 : memref<128x128xf32, #tpu.memory_space<vmem>>) dst(%dma_wait3A_92 : memref<128x128xf32, #tpu.memory_space<hbm>>)
        %dma_wait3A_93 = arith.constant 0 : i32
        %dma_wait3A_94 = arith.constant 0 : i32
        %dma_wait3A_95 = tpu.memref_slice %arg6[%dma_wait3A_93, %dma_wait3A_94] : memref<131072x128xf32, #tpu.memory_space<hbm>> -> memref<128x128xf32, #tpu.memory_space<hbm>>
        %dma_wait3A_96 = arith.constant 0 : i32
        %dma_wait3A_97 = arith.constant 0 : i32
        %dma_wait3A_98 = tpu.memref_slice %arg6[%dma_wait3A_96, %dma_wait3A_97] : memref<131072x128xf32, #tpu.memory_space<hbm>> -> memref<128x128xf32, #tpu.memory_space<hbm>>
        tpu.wait_dma2 semaphore(%arg15 : memref<!tpu.dma_semaphore, #tpu.memory_space<semaphore_mem>>) src(%arg11 : memref<128x128xf32, #tpu.memory_space<vmem>>) dst(%dma_wait3A_98 : memref<128x128xf32, #tpu.memory_space<hbm>>)
      } else {
      }
      %add3A_63 = arith.constant 1 : i32
      %add3A_64 = arith.addi %add3A_57, %add3A_63 : i32
      %lt3A_65 = arith.constant 32 : i32
      %lt3A_66 = arith.cmpi slt, %add3A_64, %lt3A_65 : i32
      %convert_element_type3A_67 = arith.extui %lt3A_66 : i1 to i32
      %cond3A_68 = arith.constant 0 : i32
      %cond3A_69 = arith.cmpi ne, %convert_element_type3A_67, %cond3A_68 : i32
      scf.if %cond3A_69 {
        %add3A_87 = arith.constant 1 : i32
        %add3A_88 = arith.addi %add3A_57, %add3A_87 : i32
        %mul3A_89 = arith.constant 128 : i32
        %mul3A_90 = arith.muli %add3A_88, %mul3A_89 : i32
        %add3A_91 = arith.addi %mul3A_2, %mul3A_90 : i32
        "tpu.region"() ({
          %run_scoped3A = tpu.sem_alloc : memref<!tpu.dma_semaphore, #tpu.memory_space<semaphore_mem>>
          %dma_start3A_98 = tpu.memref_slice %arg4[%add3A_91] : memref<131072xi32, #tpu.memory_space<hbm>> -> memref<128xi32, #tpu.memory_space<hbm>>
          %dma_start3A_99 = tpu.memref_slice %arg4[%add3A_91] : memref<131072xi32, #tpu.memory_space<hbm>> -> memref<128xi32, #tpu.memory_space<hbm>>
          tpu.enqueue_dma source(%dma_start3A_99 : memref<128xi32, #tpu.memory_space<hbm>>) target(%arg7 : memref<128xi32, #tpu.memory_space<vmem>>) target_semaphore(%run_scoped3A : memref<!tpu.dma_semaphore, #tpu.memory_space<semaphore_mem>>)
          %dma_wait3A_100 = tpu.memref_slice %arg4[%add3A_91] : memref<131072xi32, #tpu.memory_space<hbm>> -> memref<128xi32, #tpu.memory_space<hbm>>
          %dma_wait3A_101 = tpu.memref_slice %arg4[%add3A_91] : memref<131072xi32, #tpu.memory_space<hbm>> -> memref<128xi32, #tpu.memory_space<hbm>>
          tpu.wait_dma2 semaphore(%run_scoped3A : memref<!tpu.dma_semaphore, #tpu.memory_space<semaphore_mem>>) src(%dma_wait3A_101 : memref<128xi32, #tpu.memory_space<hbm>>) dst(%arg7 : memref<128xi32, #tpu.memory_space<vmem>>)
          tpu.yield
        }) : () -> ()
        %dma_start3A_92 = arith.constant 0 : i32
        %dma_start3A_93 = arith.constant 0 : i32
        %dma_start3A_94 = tpu.memref_slice %arg2[%dma_start3A_92, %dma_start3A_93] : memref<8192x128xf32, #tpu.memory_space<hbm>> -> memref<8192x128xf32, #tpu.memory_space<hbm>>
        tpu.enqueue_indirect_dma source(%dma_start3A_94 : memref<8192x128xf32, #tpu.memory_space<hbm>>) target(%arg9 : memref<128x128xf32, #tpu.memory_space<vmem>>) offsets(%arg7 : memref<128xi32, #tpu.memory_space<vmem>>) semaphore(%arg13 : memref<!tpu.dma_semaphore, #tpu.memory_space<semaphore_mem>>)
        %dma_start3A_95 = arith.constant 0 : i32
        %dma_start3A_96 = arith.constant 0 : i32
        %dma_start3A_97 = tpu.memref_slice %arg3[%dma_start3A_95, %dma_start3A_96] : memref<8192x128xf32, #tpu.memory_space<hbm>> -> memref<8192x128xf32, #tpu.memory_space<hbm>>
        tpu.enqueue_indirect_dma source(%dma_start3A_97 : memref<8192x128xf32, #tpu.memory_space<hbm>>) target(%arg11 : memref<128x128xf32, #tpu.memory_space<vmem>>) offsets(%arg7 : memref<128xi32, #tpu.memory_space<vmem>>) semaphore(%arg13 : memref<!tpu.dma_semaphore, #tpu.memory_space<semaphore_mem>>)
      } else {
      }
      %dma_wait3A_70 = arith.constant 0 : i32
      %dma_wait3A_71 = arith.constant 0 : i32
      %dma_wait3A_72 = tpu.memref_slice %arg2[%dma_wait3A_70, %dma_wait3A_71] : memref<8192x128xf32, #tpu.memory_space<hbm>> -> memref<8192x128xf32, #tpu.memory_space<hbm>>
      tpu.wait_indirect_dma semaphore(%arg14 : memref<!tpu.dma_semaphore, #tpu.memory_space<semaphore_mem>>) src(%dma_wait3A_72 : memref<8192x128xf32, #tpu.memory_space<hbm>>) dst(%arg10 : memref<128x128xf32, #tpu.memory_space<vmem>>)
      %dma_wait3A_73 = arith.constant 0 : i32
      %dma_wait3A_74 = arith.constant 0 : i32
      %dma_wait3A_75 = tpu.memref_slice %arg3[%dma_wait3A_73, %dma_wait3A_74] : memref<8192x128xf32, #tpu.memory_space<hbm>> -> memref<8192x128xf32, #tpu.memory_space<hbm>>
      tpu.wait_indirect_dma semaphore(%arg14 : memref<!tpu.dma_semaphore, #tpu.memory_space<semaphore_mem>>) src(%dma_wait3A_75 : memref<8192x128xf32, #tpu.memory_space<hbm>>) dst(%arg12 : memref<128x128xf32, #tpu.memory_space<vmem>>)
      %mul3A_76 = arith.constant 128 : i32
      %mul3A_77 = arith.muli %add3A_57, %mul3A_76 : i32
      %add3A_78 = arith.addi %mul3A_2, %mul3A_77 : i32
      %dma_start3A_79 = arith.constant 0 : i32
      %dma_start3A_80 = tpu.memref_slice %arg5[%add3A_78, %dma_start3A_79] : memref<131072x128xf32, #tpu.memory_space<hbm>> -> memref<128x128xf32, #tpu.memory_space<hbm>>
      %dma_start3A_81 = arith.constant 0 : i32
      %dma_start3A_82 = tpu.memref_slice %arg5[%add3A_78, %dma_start3A_81] : memref<131072x128xf32, #tpu.memory_space<hbm>> -> memref<128x128xf32, #tpu.memory_space<hbm>>
      tpu.enqueue_dma source(%arg10 : memref<128x128xf32, #tpu.memory_space<vmem>>) target(%dma_start3A_82 : memref<128x128xf32, #tpu.memory_space<hbm>>) target_semaphore(%arg16 : memref<!tpu.dma_semaphore, #tpu.memory_space<semaphore_mem>>)
      %dma_start3A_83 = arith.constant 0 : i32
      %dma_start3A_84 = tpu.memref_slice %arg6[%add3A_78, %dma_start3A_83] : memref<131072x128xf32, #tpu.memory_space<hbm>> -> memref<128x128xf32, #tpu.memory_space<hbm>>
      %dma_start3A_85 = arith.constant 0 : i32
      %dma_start3A_86 = tpu.memref_slice %arg6[%add3A_78, %dma_start3A_85] : memref<131072x128xf32, #tpu.memory_space<hbm>> -> memref<128x128xf32, #tpu.memory_space<hbm>>
      tpu.enqueue_dma source(%arg12 : memref<128x128xf32, #tpu.memory_space<vmem>>) target(%dma_start3A_86 : memref<128x128xf32, #tpu.memory_space<hbm>>) target_semaphore(%arg16 : memref<!tpu.dma_semaphore, #tpu.memory_space<semaphore_mem>>)
    }
    %scan3A_12 = arith.constant 16 : i32
    %dma_wait3A = arith.constant 0 : i32
    %dma_wait3A_13 = arith.constant 0 : i32
    %dma_wait3A_14 = tpu.memref_slice %arg5[%dma_wait3A, %dma_wait3A_13] : memref<131072x128xf32, #tpu.memory_space<hbm>> -> memref<128x128xf32, #tpu.memory_space<hbm>>
    %dma_wait3A_15 = arith.constant 0 : i32
    %dma_wait3A_16 = arith.constant 0 : i32
    %dma_wait3A_17 = tpu.memref_slice %arg5[%dma_wait3A_15, %dma_wait3A_16] : memref<131072x128xf32, #tpu.memory_space<hbm>> -> memref<128x128xf32, #tpu.memory_space<hbm>>
    tpu.wait_dma2 semaphore(%arg16 : memref<!tpu.dma_semaphore, #tpu.memory_space<semaphore_mem>>) src(%arg10 : memref<128x128xf32, #tpu.memory_space<vmem>>) dst(%dma_wait3A_17 : memref<128x128xf32, #tpu.memory_space<hbm>>)
    %dma_wait3A_18 = arith.constant 0 : i32
    %dma_wait3A_19 = arith.constant 0 : i32
    %dma_wait3A_20 = tpu.memref_slice %arg6[%dma_wait3A_18, %dma_wait3A_19] : memref<131072x128xf32, #tpu.memory_space<hbm>> -> memref<128x128xf32, #tpu.memory_space<hbm>>
    %dma_wait3A_21 = arith.constant 0 : i32
    %dma_wait3A_22 = arith.constant 0 : i32
    %dma_wait3A_23 = tpu.memref_slice %arg6[%dma_wait3A_21, %dma_wait3A_22] : memref<131072x128xf32, #tpu.memory_space<hbm>> -> memref<128x128xf32, #tpu.memory_space<hbm>>
    tpu.wait_dma2 semaphore(%arg16 : memref<!tpu.dma_semaphore, #tpu.memory_space<semaphore_mem>>) src(%arg12 : memref<128x128xf32, #tpu.memory_space<vmem>>) dst(%dma_wait3A_23 : memref<128x128xf32, #tpu.memory_space<hbm>>)
    return
  }
}

module attributes {stable_mosaic.version = 14 : i64} {
  func.func @_coarse_body(%arg0: i32, %arg1: i32, %arg2: memref<1x32x256xf32, #tpu.memory_space<vmem>>, %arg3: memref<1x32x1024xf32, #tpu.memory_space<vmem>>, %arg4: memref<1x32x1024xf32, #tpu.memory_space<vmem>>, %arg5: memref<1x256x32xf32, #tpu.memory_space<vmem>>, %arg6: memref<1x256x16xi32, #tpu.memory_space<vmem>>) attributes {dimension_semantics = [#tpu.dimension_semantics<arbitrary>, #tpu.dimension_semantics<arbitrary>], iteration_bounds = array<i64: 8, 4>, scalar_prefetch = 0 : i64, scratch_operands = 0 : i64, tpu.core_type = #tpu.core_type<tc>, window_params = [{transform_indices = @transform_0, window_bounds = array<i64: 1, 32, 256>}, {transform_indices = @transform_1, window_bounds = array<i64: 1, 32, 1024>}, {transform_indices = @transform_2, window_bounds = array<i64: 1, 32, 1024>}, {transform_indices = @transform_3, window_bounds = array<i64: 1, 256, 32>}, {transform_indices = @transform_4, window_bounds = array<i64: 1, 256, 16>}]} {
    %get3A = arith.constant 0 : index
    %get3A_0 = arith.constant 0 : index
    %get3A_1 = arith.constant 0 : index
    %get3A_2 = vector.load %arg2[%get3A, %get3A_0, %get3A_1] : memref<1x32x256xf32, #tpu.memory_space<vmem>>, vector<1x32x256xf32>
    %get3A_3 = vector.shape_cast %get3A_2 : vector<1x32x256xf32> to vector<32x256xf32>
    %get3A_4 = arith.constant 0 : index
    %get3A_5 = arith.constant 0 : index
    %get3A_6 = arith.constant 0 : index
    %get3A_7 = vector.load %arg3[%get3A_4, %get3A_5, %get3A_6] : memref<1x32x1024xf32, #tpu.memory_space<vmem>>, vector<1x32x1024xf32>
    %get3A_8 = vector.shape_cast %get3A_7 : vector<1x32x1024xf32> to vector<32x1024xf32>
    %get3A_9 = arith.constant 0 : index
    %get3A_10 = arith.constant 0 : index
    %get3A_11 = arith.constant 0 : index
    %get3A_12 = vector.load %arg4[%get3A_9, %get3A_10, %get3A_11] : memref<1x32x1024xf32, #tpu.memory_space<vmem>>, vector<1x32x1024xf32>
    %get3A_13 = vector.shape_cast %get3A_12 : vector<1x32x1024xf32> to vector<32x1024xf32>
    %dot_general3A = arith.constant dense<0.000000e+00> : vector<256x1024xf32>
    %dot_general3A_14 = tpu.matmul %get3A_3, %get3A_8, %dot_general3A {dimension_numbers = #tpu.dot_dimension_numbers<[0], [0], [1], [1], [0, 1, 1, 1], [], []>, transpose_lhs_hint = false} : vector<32x256xf32>, vector<32x1024xf32>, vector<256x1024xf32> -> vector<256x1024xf32>
    %mul3A = arith.constant 0.176776692 : f32
    %mul3A_15 = vector.broadcast %mul3A : f32 to vector<256x1024xf32>
    %mul3A_16 = arith.mulf %dot_general3A_14, %mul3A_15 : vector<256x1024xf32>
    %reduce_max3A = arith.constant dense<0xFF800000> : vector<256xf32>
    %reduce_max3A_17 = vector.multi_reduction <maximumf>, %mul3A_16, %reduce_max3A [1] : vector<256x1024xf32> to vector<256xf32>
    %broadcast_in_dim3A = vector.shape_cast %reduce_max3A_17 : vector<256xf32> to vector<256x1xf32>
    %sub3A = vector.broadcast %broadcast_in_dim3A : vector<256x1xf32> to vector<256x1024xf32>
    %sub3A_18 = arith.subf %mul3A_16, %sub3A : vector<256x1024xf32>
    %exp3A = math.exp %sub3A_18 : vector<256x1024xf32>
    %reduce_sum3A = arith.constant dense<0.000000e+00> : vector<256xf32>
    %reduce_sum3A_19 = vector.multi_reduction <add>, %exp3A, %reduce_sum3A [1] : vector<256x1024xf32> to vector<256xf32>
    %broadcast_in_dim3A_20 = vector.shape_cast %reduce_sum3A_19 : vector<256xf32> to vector<256x1xf32>
    %dot_general3A_21 = arith.constant dense<0.000000e+00> : vector<256x32xf32>
    %dot_general3A_22 = tpu.matmul %exp3A, %get3A_13, %dot_general3A_21 {dimension_numbers = #tpu.dot_dimension_numbers<[1], [1], [0], [0], [0, 0, 1, 0], [], []>, transpose_lhs_hint = false} : vector<256x1024xf32>, vector<32x1024xf32>, vector<256x32xf32> -> vector<256x32xf32>
    %div3A = vector.broadcast %broadcast_in_dim3A_20 : vector<256x1xf32> to vector<256x32xf32>
    %div3A_23 = arith.divf %dot_general3A_22, %div3A : vector<256x32xf32>
    %swap3A = arith.constant 0 : index
    %swap3A_24 = arith.constant 0 : index
    %swap3A_25 = arith.constant 0 : index
    %swap3A_26 = vector.load %arg5[%swap3A, %swap3A_24, %swap3A_25] : memref<1x256x32xf32, #tpu.memory_space<vmem>>, vector<1x256x32xf32>
    %swap3A_27 = vector.shape_cast %swap3A_26 : vector<1x256x32xf32> to vector<256x32xf32>
    %swap3A_28 = vector.shape_cast %div3A_23 : vector<256x32xf32> to vector<1x256x32xf32>
    tpu.vector_store %arg5[%swap3A, %swap3A_24, %swap3A_25], %swap3A_28 {strides = array<i32>} : memref<1x256x32xf32, #tpu.memory_space<vmem>>, vector<1x256x32xf32>,
    %iota3A = tpu.iota {dimensions = array<i32: 1>} : vector<256x1024xi32>
    %convert_element_type3A = arith.sitofp %iota3A : vector<256x1024xi32> to vector<256x1024xf32>
    %reduce_max3A_29 = arith.constant dense<0xFF800000> : vector<256xf32>
    %reduce_max3A_30 = vector.multi_reduction <maximumf>, %exp3A, %reduce_max3A_29 [1] : vector<256x1024xf32> to vector<256xf32>
    %broadcast_in_dim3A_31 = vector.shape_cast %reduce_max3A_30 : vector<256xf32> to vector<256x1xf32>
    %eq3A = vector.broadcast %broadcast_in_dim3A_31 : vector<256x1xf32> to vector<256x1024xf32>
    %eq3A_32 = arith.cmpf oeq, %exp3A, %eq3A : vector<256x1024xf32>
    %jit3A = arith.constant 1.024000e+03 : f32
    %broadcast_in_dim3A_33 = vector.broadcast %jit3A : f32 to vector<256x1024xf32>
    %select_n3A = arith.select %eq3A_32, %convert_element_type3A, %broadcast_in_dim3A_33 : vector<256x1024xi1>, vector<256x1024xf32>
    %reduce_min3A = arith.constant dense<0x7F800000> : vector<256xf32>
    %reduce_min3A_34 = vector.multi_reduction <minimumf>, %select_n3A, %reduce_min3A [1] : vector<256x1024xf32> to vector<256xf32>
    %broadcast_in_dim3A_35 = vector.shape_cast %reduce_min3A_34 : vector<256xf32> to vector<256x1xf32>
    %eq3A_36 = vector.broadcast %broadcast_in_dim3A_35 : vector<256x1xf32> to vector<256x1024xf32>
    %eq3A_37 = arith.cmpf oeq, %convert_element_type3A, %eq3A_36 : vector<256x1024xf32>
    %jit3A_38 = arith.constant -1.000000e+00 : f32
    %broadcast_in_dim3A_39 = vector.broadcast %jit3A_38 : f32 to vector<256x1024xf32>
    %select_n3A_40 = arith.select %eq3A_37, %broadcast_in_dim3A_39, %exp3A : vector<256x1024xi1>, vector<256x1024xf32>
    %reduce_max3A_41 = arith.constant dense<0xFF800000> : vector<256xf32>
    %reduce_max3A_42 = vector.multi_reduction <maximumf>, %select_n3A_40, %reduce_max3A_41 [1] : vector<256x1024xf32> to vector<256xf32>
    %broadcast_in_dim3A_43 = vector.shape_cast %reduce_max3A_42 : vector<256xf32> to vector<256x1xf32>
    %eq3A_44 = vector.broadcast %broadcast_in_dim3A_43 : vector<256x1xf32> to vector<256x1024xf32>
    %eq3A_45 = arith.cmpf oeq, %select_n3A_40, %eq3A_44 : vector<256x1024xf32>
    %jit3A_46 = arith.constant 1.024000e+03 : f32
    %broadcast_in_dim3A_47 = vector.broadcast %jit3A_46 : f32 to vector<256x1024xf32>
    %select_n3A_48 = arith.select %eq3A_45, %convert_element_type3A, %broadcast_in_dim3A_47 : vector<256x1024xi1>, vector<256x1024xf32>
    %reduce_min3A_49 = arith.constant dense<0x7F800000> : vector<256xf32>
    %reduce_min3A_50 = vector.multi_reduction <minimumf>, %select_n3A_48, %reduce_min3A_49 [1] : vector<256x1024xf32> to vector<256xf32>
    %broadcast_in_dim3A_51 = vector.shape_cast %reduce_min3A_50 : vector<256xf32> to vector<256x1xf32>
    %eq3A_52 = vector.broadcast %broadcast_in_dim3A_51 : vector<256x1xf32> to vector<256x1024xf32>
    %eq3A_53 = arith.cmpf oeq, %convert_element_type3A, %eq3A_52 : vector<256x1024xf32>
    %jit3A_54 = arith.constant -1.000000e+00 : f32
    %broadcast_in_dim3A_55 = vector.broadcast %jit3A_54 : f32 to vector<256x1024xf32>
    %select_n3A_56 = arith.select %eq3A_53, %broadcast_in_dim3A_55, %select_n3A_40 : vector<256x1024xi1>, vector<256x1024xf32>
    %reduce_max3A_57 = arith.constant dense<0xFF800000> : vector<256xf32>
    %reduce_max3A_58 = vector.multi_reduction <maximumf>, %select_n3A_56, %reduce_max3A_57 [1] : vector<256x1024xf32> to vector<256xf32>
    %broadcast_in_dim3A_59 = vector.shape_cast %reduce_max3A_58 : vector<256xf32> to vector<256x1xf32>
    %eq3A_60 = vector.broadcast %broadcast_in_dim3A_59 : vector<256x1xf32> to vector<256x1024xf32>
    %eq3A_61 = arith.cmpf oeq, %select_n3A_56, %eq3A_60 : vector<256x1024xf32>
    %jit3A_62 = arith.constant 1.024000e+03 : f32
    %broadcast_in_dim3A_63 = vector.broadcast %jit3A_62 : f32 to vector<256x1024xf32>
    %select_n3A_64 = arith.select %eq3A_61, %convert_element_type3A, %broadcast_in_dim3A_63 : vector<256x1024xi1>, vector<256x1024xf32>
    %reduce_min3A_65 = arith.constant dense<0x7F800000> : vector<256xf32>
    %reduce_min3A_66 = vector.multi_reduction <minimumf>, %select_n3A_64, %reduce_min3A_65 [1] : vector<256x1024xf32> to vector<256xf32>
    %broadcast_in_dim3A_67 = vector.shape_cast %reduce_min3A_66 : vector<256xf32> to vector<256x1xf32>
    %eq3A_68 = vector.broadcast %broadcast_in_dim3A_67 : vector<256x1xf32> to vector<256x1024xf32>
    %eq3A_69 = arith.cmpf oeq, %convert_element_type3A, %eq3A_68 : vector<256x1024xf32>
    %jit3A_70 = arith.constant -1.000000e+00 : f32
    %broadcast_in_dim3A_71 = vector.broadcast %jit3A_70 : f32 to vector<256x1024xf32>
    %select_n3A_72 = arith.select %eq3A_69, %broadcast_in_dim3A_71, %select_n3A_56 : vector<256x1024xi1>, vector<256x1024xf32>
    %reduce_max3A_73 = arith.constant dense<0xFF800000> : vector<256xf32>
    %reduce_max3A_74 = vector.multi_reduction <maximumf>, %select_n3A_72, %reduce_max3A_73 [1] : vector<256x1024xf32> to vector<256xf32>
    %broadcast_in_dim3A_75 = vector.shape_cast %reduce_max3A_74 : vector<256xf32> to vector<256x1xf32>
    %eq3A_76 = vector.broadcast %broadcast_in_dim3A_75 : vector<256x1xf32> to vector<256x1024xf32>
    %eq3A_77 = arith.cmpf oeq, %select_n3A_72, %eq3A_76 : vector<256x1024xf32>
    %jit3A_78 = arith.constant 1.024000e+03 : f32
    %broadcast_in_dim3A_79 = vector.broadcast %jit3A_78 : f32 to vector<256x1024xf32>
    %select_n3A_80 = arith.select %eq3A_77, %convert_element_type3A, %broadcast_in_dim3A_79 : vector<256x1024xi1>, vector<256x1024xf32>
    %reduce_min3A_81 = arith.constant dense<0x7F800000> : vector<256xf32>
    %reduce_min3A_82 = vector.multi_reduction <minimumf>, %select_n3A_80, %reduce_min3A_81 [1] : vector<256x1024xf32> to vector<256xf32>
    %broadcast_in_dim3A_83 = vector.shape_cast %reduce_min3A_82 : vector<256xf32> to vector<256x1xf32>
    %eq3A_84 = vector.broadcast %broadcast_in_dim3A_83 : vector<256x1xf32> to vector<256x1024xf32>
    %eq3A_85 = arith.cmpf oeq, %convert_element_type3A, %eq3A_84 : vector<256x1024xf32>
    %jit3A_86 = arith.constant -1.000000e+00 : f32
    %broadcast_in_dim3A_87 = vector.broadcast %jit3A_86 : f32 to vector<256x1024xf32>
    %select_n3A_88 = arith.select %eq3A_85, %broadcast_in_dim3A_87, %select_n3A_72 : vector<256x1024xi1>, vector<256x1024xf32>
    %reduce_max3A_89 = arith.constant dense<0xFF800000> : vector<256xf32>
    %reduce_max3A_90 = vector.multi_reduction <maximumf>, %select_n3A_88, %reduce_max3A_89 [1] : vector<256x1024xf32> to vector<256xf32>
    %broadcast_in_dim3A_91 = vector.shape_cast %reduce_max3A_90 : vector<256xf32> to vector<256x1xf32>
    %eq3A_92 = vector.broadcast %broadcast_in_dim3A_91 : vector<256x1xf32> to vector<256x1024xf32>
    %eq3A_93 = arith.cmpf oeq, %select_n3A_88, %eq3A_92 : vector<256x1024xf32>
    %jit3A_94 = arith.constant 1.024000e+03 : f32
    %broadcast_in_dim3A_95 = vector.broadcast %jit3A_94 : f32 to vector<256x1024xf32>
    %select_n3A_96 = arith.select %eq3A_93, %convert_element_type3A, %broadcast_in_dim3A_95 : vector<256x1024xi1>, vector<256x1024xf32>
    %reduce_min3A_97 = arith.constant dense<0x7F800000> : vector<256xf32>
    %reduce_min3A_98 = vector.multi_reduction <minimumf>, %select_n3A_96, %reduce_min3A_97 [1] : vector<256x1024xf32> to vector<256xf32>
    %broadcast_in_dim3A_99 = vector.shape_cast %reduce_min3A_98 : vector<256xf32> to vector<256x1xf32>
    %eq3A_100 = vector.broadcast %broadcast_in_dim3A_99 : vector<256x1xf32> to vector<256x1024xf32>
    %eq3A_101 = arith.cmpf oeq, %convert_element_type3A, %eq3A_100 : vector<256x1024xf32>
    %jit3A_102 = arith.constant -1.000000e+00 : f32
    %broadcast_in_dim3A_103 = vector.broadcast %jit3A_102 : f32 to vector<256x1024xf32>
    %select_n3A_104 = arith.select %eq3A_101, %broadcast_in_dim3A_103, %select_n3A_88 : vector<256x1024xi1>, vector<256x1024xf32>
    %reduce_max3A_105 = arith.constant dense<0xFF800000> : vector<256xf32>
    %reduce_max3A_106 = vector.multi_reduction <maximumf>, %select_n3A_104, %reduce_max3A_105 [1] : vector<256x1024xf32> to vector<256xf32>
    %broadcast_in_dim3A_107 = vector.shape_cast %reduce_max3A_106 : vector<256xf32> to vector<256x1xf32>
    %eq3A_108 = vector.broadcast %broadcast_in_dim3A_107 : vector<256x1xf32> to vector<256x1024xf32>
    %eq3A_109 = arith.cmpf oeq, %select_n3A_104, %eq3A_108 : vector<256x1024xf32>
    %jit3A_110 = arith.constant 1.024000e+03 : f32
    %broadcast_in_dim3A_111 = vector.broadcast %jit3A_110 : f32 to vector<256x1024xf32>
    %select_n3A_112 = arith.select %eq3A_109, %convert_element_type3A, %broadcast_in_dim3A_111 : vector<256x1024xi1>, vector<256x1024xf32>
    %reduce_min3A_113 = arith.constant dense<0x7F800000> : vector<256xf32>
    %reduce_min3A_114 = vector.multi_reduction <minimumf>, %select_n3A_112, %reduce_min3A_113 [1] : vector<256x1024xf32> to vector<256xf32>
    %broadcast_in_dim3A_115 = vector.shape_cast %reduce_min3A_114 : vector<256xf32> to vector<256x1xf32>
    %eq3A_116 = vector.broadcast %broadcast_in_dim3A_115 : vector<256x1xf32> to vector<256x1024xf32>
    %eq3A_117 = arith.cmpf oeq, %convert_element_type3A, %eq3A_116 : vector<256x1024xf32>
    %jit3A_118 = arith.constant -1.000000e+00 : f32
    %broadcast_in_dim3A_119 = vector.broadcast %jit3A_118 : f32 to vector<256x1024xf32>
    %select_n3A_120 = arith.select %eq3A_117, %broadcast_in_dim3A_119, %select_n3A_104 : vector<256x1024xi1>, vector<256x1024xf32>
    %reduce_max3A_121 = arith.constant dense<0xFF800000> : vector<256xf32>
    %reduce_max3A_122 = vector.multi_reduction <maximumf>, %select_n3A_120, %reduce_max3A_121 [1] : vector<256x1024xf32> to vector<256xf32>
    %broadcast_in_dim3A_123 = vector.shape_cast %reduce_max3A_122 : vector<256xf32> to vector<256x1xf32>
    %eq3A_124 = vector.broadcast %broadcast_in_dim3A_123 : vector<256x1xf32> to vector<256x1024xf32>
    %eq3A_125 = arith.cmpf oeq, %select_n3A_120, %eq3A_124 : vector<256x1024xf32>
    %jit3A_126 = arith.constant 1.024000e+03 : f32
    %broadcast_in_dim3A_127 = vector.broadcast %jit3A_126 : f32 to vector<256x1024xf32>
    %select_n3A_128 = arith.select %eq3A_125, %convert_element_type3A, %broadcast_in_dim3A_127 : vector<256x1024xi1>, vector<256x1024xf32>
    %reduce_min3A_129 = arith.constant dense<0x7F800000> : vector<256xf32>
    %reduce_min3A_130 = vector.multi_reduction <minimumf>, %select_n3A_128, %reduce_min3A_129 [1] : vector<256x1024xf32> to vector<256xf32>
    %broadcast_in_dim3A_131 = vector.shape_cast %reduce_min3A_130 : vector<256xf32> to vector<256x1xf32>
    %eq3A_132 = vector.broadcast %broadcast_in_dim3A_131 : vector<256x1xf32> to vector<256x1024xf32>
    %eq3A_133 = arith.cmpf oeq, %convert_element_type3A, %eq3A_132 : vector<256x1024xf32>
    %jit3A_134 = arith.constant -1.000000e+00 : f32
    %broadcast_in_dim3A_135 = vector.broadcast %jit3A_134 : f32 to vector<256x1024xf32>
    %select_n3A_136 = arith.select %eq3A_133, %broadcast_in_dim3A_135, %select_n3A_120 : vector<256x1024xi1>, vector<256x1024xf32>
    %reduce_max3A_137 = arith.constant dense<0xFF800000> : vector<256xf32>
    %reduce_max3A_138 = vector.multi_reduction <maximumf>, %select_n3A_136, %reduce_max3A_137 [1] : vector<256x1024xf32> to vector<256xf32>
    %broadcast_in_dim3A_139 = vector.shape_cast %reduce_max3A_138 : vector<256xf32> to vector<256x1xf32>
    %eq3A_140 = vector.broadcast %broadcast_in_dim3A_139 : vector<256x1xf32> to vector<256x1024xf32>
    %eq3A_141 = arith.cmpf oeq, %select_n3A_136, %eq3A_140 : vector<256x1024xf32>
    %jit3A_142 = arith.constant 1.024000e+03 : f32
    %broadcast_in_dim3A_143 = vector.broadcast %jit3A_142 : f32 to vector<256x1024xf32>
    %select_n3A_144 = arith.select %eq3A_141, %convert_element_type3A, %broadcast_in_dim3A_143 : vector<256x1024xi1>, vector<256x1024xf32>
    %reduce_min3A_145 = arith.constant dense<0x7F800000> : vector<256xf32>
    %reduce_min3A_146 = vector.multi_reduction <minimumf>, %select_n3A_144, %reduce_min3A_145 [1] : vector<256x1024xf32> to vector<256xf32>
    %broadcast_in_dim3A_147 = vector.shape_cast %reduce_min3A_146 : vector<256xf32> to vector<256x1xf32>
    %eq3A_148 = vector.broadcast %broadcast_in_dim3A_147 : vector<256x1xf32> to vector<256x1024xf32>
    %eq3A_149 = arith.cmpf oeq, %convert_element_type3A, %eq3A_148 : vector<256x1024xf32>
    %jit3A_150 = arith.constant -1.000000e+00 : f32
    %broadcast_in_dim3A_151 = vector.broadcast %jit3A_150 : f32 to vector<256x1024xf32>
    %select_n3A_152 = arith.select %eq3A_149, %broadcast_in_dim3A_151, %select_n3A_136 : vector<256x1024xi1>, vector<256x1024xf32>
    %reduce_max3A_153 = arith.constant dense<0xFF800000> : vector<256xf32>
    %reduce_max3A_154 = vector.multi_reduction <maximumf>, %select_n3A_152, %reduce_max3A_153 [1] : vector<256x1024xf32> to vector<256xf32>
    %broadcast_in_dim3A_155 = vector.shape_cast %reduce_max3A_154 : vector<256xf32> to vector<256x1xf32>
    %eq3A_156 = vector.broadcast %broadcast_in_dim3A_155 : vector<256x1xf32> to vector<256x1024xf32>
    %eq3A_157 = arith.cmpf oeq, %select_n3A_152, %eq3A_156 : vector<256x1024xf32>
    %jit3A_158 = arith.constant 1.024000e+03 : f32
    %broadcast_in_dim3A_159 = vector.broadcast %jit3A_158 : f32 to vector<256x1024xf32>
    %select_n3A_160 = arith.select %eq3A_157, %convert_element_type3A, %broadcast_in_dim3A_159 : vector<256x1024xi1>, vector<256x1024xf32>
    %reduce_min3A_161 = arith.constant dense<0x7F800000> : vector<256xf32>
    %reduce_min3A_162 = vector.multi_reduction <minimumf>, %select_n3A_160, %reduce_min3A_161 [1] : vector<256x1024xf32> to vector<256xf32>
    %broadcast_in_dim3A_163 = vector.shape_cast %reduce_min3A_162 : vector<256xf32> to vector<256x1xf32>
    %eq3A_164 = vector.broadcast %broadcast_in_dim3A_163 : vector<256x1xf32> to vector<256x1024xf32>
    %eq3A_165 = arith.cmpf oeq, %convert_element_type3A, %eq3A_164 : vector<256x1024xf32>
    %jit3A_166 = arith.constant -1.000000e+00 : f32
    %broadcast_in_dim3A_167 = vector.broadcast %jit3A_166 : f32 to vector<256x1024xf32>
    %select_n3A_168 = arith.select %eq3A_165, %broadcast_in_dim3A_167, %select_n3A_152 : vector<256x1024xi1>, vector<256x1024xf32>
    %reduce_max3A_169 = arith.constant dense<0xFF800000> : vector<256xf32>
    %reduce_max3A_170 = vector.multi_reduction <maximumf>, %select_n3A_168, %reduce_max3A_169 [1] : vector<256x1024xf32> to vector<256xf32>
    %broadcast_in_dim3A_171 = vector.shape_cast %reduce_max3A_170 : vector<256xf32> to vector<256x1xf32>
    %eq3A_172 = vector.broadcast %broadcast_in_dim3A_171 : vector<256x1xf32> to vector<256x1024xf32>
    %eq3A_173 = arith.cmpf oeq, %select_n3A_168, %eq3A_172 : vector<256x1024xf32>
    %jit3A_174 = arith.constant 1.024000e+03 : f32
    %broadcast_in_dim3A_175 = vector.broadcast %jit3A_174 : f32 to vector<256x1024xf32>
    %select_n3A_176 = arith.select %eq3A_173, %convert_element_type3A, %broadcast_in_dim3A_175 : vector<256x1024xi1>, vector<256x1024xf32>
    %reduce_min3A_177 = arith.constant dense<0x7F800000> : vector<256xf32>
    %reduce_min3A_178 = vector.multi_reduction <minimumf>, %select_n3A_176, %reduce_min3A_177 [1] : vector<256x1024xf32> to vector<256xf32>
    %broadcast_in_dim3A_179 = vector.shape_cast %reduce_min3A_178 : vector<256xf32> to vector<256x1xf32>
    %eq3A_180 = vector.broadcast %broadcast_in_dim3A_179 : vector<256x1xf32> to vector<256x1024xf32>
    %eq3A_181 = arith.cmpf oeq, %convert_element_type3A, %eq3A_180 : vector<256x1024xf32>
    %jit3A_182 = arith.constant -1.000000e+00 : f32
    %broadcast_in_dim3A_183 = vector.broadcast %jit3A_182 : f32 to vector<256x1024xf32>
    %select_n3A_184 = arith.select %eq3A_181, %broadcast_in_dim3A_183, %select_n3A_168 : vector<256x1024xi1>, vector<256x1024xf32>
    %reduce_max3A_185 = arith.constant dense<0xFF800000> : vector<256xf32>
    %reduce_max3A_186 = vector.multi_reduction <maximumf>, %select_n3A_184, %reduce_max3A_185 [1] : vector<256x1024xf32> to vector<256xf32>
    %broadcast_in_dim3A_187 = vector.shape_cast %reduce_max3A_186 : vector<256xf32> to vector<256x1xf32>
    %eq3A_188 = vector.broadcast %broadcast_in_dim3A_187 : vector<256x1xf32> to vector<256x1024xf32>
    %eq3A_189 = arith.cmpf oeq, %select_n3A_184, %eq3A_188 : vector<256x1024xf32>
    %jit3A_190 = arith.constant 1.024000e+03 : f32
    %broadcast_in_dim3A_191 = vector.broadcast %jit3A_190 : f32 to vector<256x1024xf32>
    %select_n3A_192 = arith.select %eq3A_189, %convert_element_type3A, %broadcast_in_dim3A_191 : vector<256x1024xi1>, vector<256x1024xf32>
    %reduce_min3A_193 = arith.constant dense<0x7F800000> : vector<256xf32>
    %reduce_min3A_194 = vector.multi_reduction <minimumf>, %select_n3A_192, %reduce_min3A_193 [1] : vector<256x1024xf32> to vector<256xf32>
    %broadcast_in_dim3A_195 = vector.shape_cast %reduce_min3A_194 : vector<256xf32> to vector<256x1xf32>
    %eq3A_196 = vector.broadcast %broadcast_in_dim3A_195 : vector<256x1xf32> to vector<256x1024xf32>
    %eq3A_197 = arith.cmpf oeq, %convert_element_type3A, %eq3A_196 : vector<256x1024xf32>
    %jit3A_198 = arith.constant -1.000000e+00 : f32
    %broadcast_in_dim3A_199 = vector.broadcast %jit3A_198 : f32 to vector<256x1024xf32>
    %select_n3A_200 = arith.select %eq3A_197, %broadcast_in_dim3A_199, %select_n3A_184 : vector<256x1024xi1>, vector<256x1024xf32>
    %reduce_max3A_201 = arith.constant dense<0xFF800000> : vector<256xf32>
    %reduce_max3A_202 = vector.multi_reduction <maximumf>, %select_n3A_200, %reduce_max3A_201 [1] : vector<256x1024xf32> to vector<256xf32>
    %broadcast_in_dim3A_203 = vector.shape_cast %reduce_max3A_202 : vector<256xf32> to vector<256x1xf32>
    %eq3A_204 = vector.broadcast %broadcast_in_dim3A_203 : vector<256x1xf32> to vector<256x1024xf32>
    %eq3A_205 = arith.cmpf oeq, %select_n3A_200, %eq3A_204 : vector<256x1024xf32>
    %jit3A_206 = arith.constant 1.024000e+03 : f32
    %broadcast_in_dim3A_207 = vector.broadcast %jit3A_206 : f32 to vector<256x1024xf32>
    %select_n3A_208 = arith.select %eq3A_205, %convert_element_type3A, %broadcast_in_dim3A_207 : vector<256x1024xi1>, vector<256x1024xf32>
    %reduce_min3A_209 = arith.constant dense<0x7F800000> : vector<256xf32>
    %reduce_min3A_210 = vector.multi_reduction <minimumf>, %select_n3A_208, %reduce_min3A_209 [1] : vector<256x1024xf32> to vector<256xf32>
    %broadcast_in_dim3A_211 = vector.shape_cast %reduce_min3A_210 : vector<256xf32> to vector<256x1xf32>
    %eq3A_212 = vector.broadcast %broadcast_in_dim3A_211 : vector<256x1xf32> to vector<256x1024xf32>
    %eq3A_213 = arith.cmpf oeq, %convert_element_type3A, %eq3A_212 : vector<256x1024xf32>
    %jit3A_214 = arith.constant -1.000000e+00 : f32
    %broadcast_in_dim3A_215 = vector.broadcast %jit3A_214 : f32 to vector<256x1024xf32>
    %select_n3A_216 = arith.select %eq3A_213, %broadcast_in_dim3A_215, %select_n3A_200 : vector<256x1024xi1>, vector<256x1024xf32>
    %reduce_max3A_217 = arith.constant dense<0xFF800000> : vector<256xf32>
    %reduce_max3A_218 = vector.multi_reduction <maximumf>, %select_n3A_216, %reduce_max3A_217 [1] : vector<256x1024xf32> to vector<256xf32>
    %broadcast_in_dim3A_219 = vector.shape_cast %reduce_max3A_218 : vector<256xf32> to vector<256x1xf32>
    %eq3A_220 = vector.broadcast %broadcast_in_dim3A_219 : vector<256x1xf32> to vector<256x1024xf32>
    %eq3A_221 = arith.cmpf oeq, %select_n3A_216, %eq3A_220 : vector<256x1024xf32>
    %jit3A_222 = arith.constant 1.024000e+03 : f32
    %broadcast_in_dim3A_223 = vector.broadcast %jit3A_222 : f32 to vector<256x1024xf32>
    %select_n3A_224 = arith.select %eq3A_221, %convert_element_type3A, %broadcast_in_dim3A_223 : vector<256x1024xi1>, vector<256x1024xf32>
    %reduce_min3A_225 = arith.constant dense<0x7F800000> : vector<256xf32>
    %reduce_min3A_226 = vector.multi_reduction <minimumf>, %select_n3A_224, %reduce_min3A_225 [1] : vector<256x1024xf32> to vector<256xf32>
    %broadcast_in_dim3A_227 = vector.shape_cast %reduce_min3A_226 : vector<256xf32> to vector<256x1xf32>
    %eq3A_228 = vector.broadcast %broadcast_in_dim3A_227 : vector<256x1xf32> to vector<256x1024xf32>
    %eq3A_229 = arith.cmpf oeq, %convert_element_type3A, %eq3A_228 : vector<256x1024xf32>
    %jit3A_230 = arith.constant -1.000000e+00 : f32
    %broadcast_in_dim3A_231 = vector.broadcast %jit3A_230 : f32 to vector<256x1024xf32>
    %select_n3A_232 = arith.select %eq3A_229, %broadcast_in_dim3A_231, %select_n3A_216 : vector<256x1024xi1>, vector<256x1024xf32>
    %reduce_max3A_233 = arith.constant dense<0xFF800000> : vector<256xf32>
    %reduce_max3A_234 = vector.multi_reduction <maximumf>, %select_n3A_232, %reduce_max3A_233 [1] : vector<256x1024xf32> to vector<256xf32>
    %broadcast_in_dim3A_235 = vector.shape_cast %reduce_max3A_234 : vector<256xf32> to vector<256x1xf32>
    %eq3A_236 = vector.broadcast %broadcast_in_dim3A_235 : vector<256x1xf32> to vector<256x1024xf32>
    %eq3A_237 = arith.cmpf oeq, %select_n3A_232, %eq3A_236 : vector<256x1024xf32>
    %jit3A_238 = arith.constant 1.024000e+03 : f32
    %broadcast_in_dim3A_239 = vector.broadcast %jit3A_238 : f32 to vector<256x1024xf32>
    %select_n3A_240 = arith.select %eq3A_237, %convert_element_type3A, %broadcast_in_dim3A_239 : vector<256x1024xi1>, vector<256x1024xf32>
    %reduce_min3A_241 = arith.constant dense<0x7F800000> : vector<256xf32>
    %reduce_min3A_242 = vector.multi_reduction <minimumf>, %select_n3A_240, %reduce_min3A_241 [1] : vector<256x1024xf32> to vector<256xf32>
    %broadcast_in_dim3A_243 = vector.shape_cast %reduce_min3A_242 : vector<256xf32> to vector<256x1xf32>
    %eq3A_244 = vector.broadcast %broadcast_in_dim3A_243 : vector<256x1xf32> to vector<256x1024xf32>
    %eq3A_245 = arith.cmpf oeq, %convert_element_type3A, %eq3A_244 : vector<256x1024xf32>
    %jit3A_246 = arith.constant -1.000000e+00 : f32
    %broadcast_in_dim3A_247 = vector.broadcast %jit3A_246 : f32 to vector<256x1024xf32>
    %select_n3A_248 = arith.select %eq3A_245, %broadcast_in_dim3A_247, %select_n3A_232 : vector<256x1024xi1>, vector<256x1024xf32>
    %reduce_max3A_249 = arith.constant dense<0xFF800000> : vector<256xf32>
    %reduce_max3A_250 = vector.multi_reduction <maximumf>, %select_n3A_248, %reduce_max3A_249 [1] : vector<256x1024xf32> to vector<256xf32>
    %broadcast_in_dim3A_251 = vector.shape_cast %reduce_max3A_250 : vector<256xf32> to vector<256x1xf32>
    %eq3A_252 = vector.broadcast %broadcast_in_dim3A_251 : vector<256x1xf32> to vector<256x1024xf32>
    %eq3A_253 = arith.cmpf oeq, %select_n3A_248, %eq3A_252 : vector<256x1024xf32>
    %jit3A_254 = arith.constant 1.024000e+03 : f32
    %broadcast_in_dim3A_255 = vector.broadcast %jit3A_254 : f32 to vector<256x1024xf32>
    %select_n3A_256 = arith.select %eq3A_253, %convert_element_type3A, %broadcast_in_dim3A_255 : vector<256x1024xi1>, vector<256x1024xf32>
    %reduce_min3A_257 = arith.constant dense<0x7F800000> : vector<256xf32>
    %reduce_min3A_258 = vector.multi_reduction <minimumf>, %select_n3A_256, %reduce_min3A_257 [1] : vector<256x1024xf32> to vector<256xf32>
    %broadcast_in_dim3A_259 = vector.shape_cast %reduce_min3A_258 : vector<256xf32> to vector<256x1xf32>
    %eq3A_260 = vector.broadcast %broadcast_in_dim3A_259 : vector<256x1xf32> to vector<256x1024xf32>
    %eq3A_261 = arith.cmpf oeq, %convert_element_type3A, %eq3A_260 : vector<256x1024xf32>
    %jit3A_262 = arith.constant -1.000000e+00 : f32
    %broadcast_in_dim3A_263 = vector.broadcast %jit3A_262 : f32 to vector<256x1024xf32>
    %select_n3A_264 = arith.select %eq3A_261, %broadcast_in_dim3A_263, %select_n3A_248 : vector<256x1024xi1>, vector<256x1024xf32>
    %reduce_max3A_265 = arith.constant dense<0xFF800000> : vector<256xf32>
    %reduce_max3A_266 = vector.multi_reduction <maximumf>, %select_n3A_264, %reduce_max3A_265 [1] : vector<256x1024xf32> to vector<256xf32>
    %broadcast_in_dim3A_267 = vector.shape_cast %reduce_max3A_266 : vector<256xf32> to vector<256x1xf32>
    %eq3A_268 = vector.broadcast %broadcast_in_dim3A_267 : vector<256x1xf32> to vector<256x1024xf32>
    %eq3A_269 = arith.cmpf oeq, %select_n3A_264, %eq3A_268 : vector<256x1024xf32>
    %jit3A_270 = arith.constant 1.024000e+03 : f32
    %broadcast_in_dim3A_271 = vector.broadcast %jit3A_270 : f32 to vector<256x1024xf32>
    %select_n3A_272 = arith.select %eq3A_269, %convert_element_type3A, %broadcast_in_dim3A_271 : vector<256x1024xi1>, vector<256x1024xf32>
    %reduce_min3A_273 = arith.constant dense<0x7F800000> : vector<256xf32>
    %reduce_min3A_274 = vector.multi_reduction <minimumf>, %select_n3A_272, %reduce_min3A_273 [1] : vector<256x1024xf32> to vector<256xf32>
    %broadcast_in_dim3A_275 = vector.shape_cast %reduce_min3A_274 : vector<256xf32> to vector<256x1xf32>
    %concatenate3A = tpu.concatenate %broadcast_in_dim3A_35, %broadcast_in_dim3A_51, %broadcast_in_dim3A_67, %broadcast_in_dim3A_83, %broadcast_in_dim3A_99, %broadcast_in_dim3A_115, %broadcast_in_dim3A_131, %broadcast_in_dim3A_147, %broadcast_in_dim3A_163, %broadcast_in_dim3A_179, %broadcast_in_dim3A_195, %broadcast_in_dim3A_211, %broadcast_in_dim3A_227, %broadcast_in_dim3A_243, %broadcast_in_dim3A_259, %broadcast_in_dim3A_275 in 1 : vector<256x1xf32>, vector<256x1xf32>, vector<256x1xf32>, vector<256x1xf32>, vector<256x1xf32>, vector<256x1xf32>, vector<256x1xf32>, vector<256x1xf32>, vector<256x1xf32>, vector<256x1xf32>, vector<256x1xf32>, vector<256x1xf32>, vector<256x1xf32>, vector<256x1xf32>, vector<256x1xf32>, vector<256x1xf32> -> vector<256x16xf32>
    %convert_element_type3A_276 = arith.fptosi %concatenate3A : vector<256x16xf32> to vector<256x16xi32>
    %mul3A_277 = arith.constant 1024 : i32
    %mul3A_278 = arith.muli %arg0, %mul3A_277 : i32
    %add3A = vector.broadcast %mul3A_278 : i32 to vector<256x16xi32>
    %add3A_279 = arith.addi %convert_element_type3A_276, %add3A : vector<256x16xi32>
    %swap3A_280 = arith.constant 0 : index
    %swap3A_281 = arith.constant 0 : index
    %swap3A_282 = arith.constant 0 : index
    %swap3A_283 = vector.load %arg6[%swap3A_280, %swap3A_281, %swap3A_282] : memref<1x256x16xi32, #tpu.memory_space<vmem>>, vector<1x256x16xi32>
    %swap3A_284 = vector.shape_cast %swap3A_283 : vector<1x256x16xi32> to vector<256x16xi32>
    %swap3A_285 = vector.shape_cast %add3A_279 : vector<256x16xi32> to vector<1x256x16xi32>
    tpu.vector_store %arg6[%swap3A_280, %swap3A_281, %swap3A_282], %swap3A_285 {strides = array<i32>} : memref<1x256x16xi32, #tpu.memory_space<vmem>>, vector<1x256x16xi32>,
    return
  }
  func.func @transform_0(%arg0: i32, %arg1: i32) -> (i32, i32, i32) {
    %c0_i32 = arith.constant 0 : i32
    %c0_i32_0 = arith.constant 0 : i32
    return %arg0, %c0_i32, %arg1 : i32, i32, i32
  }
  func.func @transform_1(%arg0: i32, %arg1: i32) -> (i32, i32, i32) {
    %c0_i32 = arith.constant 0 : i32
    %c0_i32_0 = arith.constant 0 : i32
    %c0_i32_1 = arith.constant 0 : i32
    return %arg0, %c0_i32, %c0_i32_0 : i32, i32, i32
  }
  func.func @transform_2(%arg0: i32, %arg1: i32) -> (i32, i32, i32) {
    %c0_i32 = arith.constant 0 : i32
    %c0_i32_0 = arith.constant 0 : i32
    %c0_i32_1 = arith.constant 0 : i32
    return %arg0, %c0_i32, %c0_i32_0 : i32, i32, i32
  }
  func.func @transform_3(%arg0: i32, %arg1: i32) -> (i32, i32, i32) {
    %c0_i32 = arith.constant 0 : i32
    %c0_i32_0 = arith.constant 0 : i32
    return %arg0, %arg1, %c0_i32 : i32, i32, i32
  }
  func.func @transform_4(%arg0: i32, %arg1: i32) -> (i32, i32, i32) {
    %c0_i32 = arith.constant 0 : i32
    %c0_i32_0 = arith.constant 0 : i32
    return %arg0, %arg1, %c0_i32 : i32, i32, i32
  }
}

module attributes {stable_mosaic.version = 14 : i64} {
  func.func @_fine_body(%arg0: i32, %arg1: i32, %arg2: memref<1x4x128x32xf32, #tpu.memory_space<vmem>>, %arg3: memref<2048x128xf32, #tpu.memory_space<vmem>>, %arg4: memref<2048x128xf32, #tpu.memory_space<vmem>>, %arg5: memref<1x128x32xf32, #tpu.memory_space<vmem>>, %arg6: memref<1x2xf32, #tpu.memory_space<smem>>, %arg7: memref<4x2x32x2x8x32xf32, #tpu.memory_space<vmem>>) attributes {dimension_semantics = [#tpu.dimension_semantics<arbitrary>, #tpu.dimension_semantics<arbitrary>], iteration_bounds = array<i64: 8, 8>, scalar_prefetch = 0 : i64, scratch_operands = 0 : i64, tpu.core_type = #tpu.core_type<tc>, window_params = [{transform_indices = @transform_0, window_bounds = array<i64: 1, 4, 128, 32>}, {transform_indices = @transform_1, window_bounds = array<i64: 2048, 128>}, {transform_indices = @transform_2, window_bounds = array<i64: 2048, 128>}, {transform_indices = @transform_3, window_bounds = array<i64: 1, 128, 32>}, {transform_indices = @transform_4, window_bounds = array<i64: 1, 2>}, {transform_indices = @transform_5, window_bounds = array<i64: 4, 2, 32, 2, 8, 32>}]} {
    %get3A = arith.constant 0 : index
    %get3A_0 = arith.constant 0 : index
    %get3A_1 = vector.load %arg3[%get3A, %get3A_0] : memref<2048x128xf32, #tpu.memory_space<vmem>>, vector<2048x128xf32>
    %reshape3A = vector.shape_cast %get3A_1 : vector<2048x128xf32> to vector<128x16x128xf32>
    %get3A_2 = arith.constant 0 : index
    %get3A_3 = arith.constant 0 : index
    %get3A_4 = vector.load %arg4[%get3A_2, %get3A_3] : memref<2048x128xf32, #tpu.memory_space<vmem>>, vector<2048x128xf32>
    %reshape3A_5 = vector.shape_cast %get3A_4 : vector<2048x128xf32> to vector<128x16x128xf32>
    %get3A_6 = arith.constant 0 : index
    %get3A_7 = arith.constant 0 : index
    %get3A_8 = arith.constant 0 : index
    %get3A_9 = vector.load %arg5[%get3A_6, %get3A_7, %get3A_8] : memref<1x128x32xf32, #tpu.memory_space<vmem>>, vector<1x128x32xf32>
    %get3A_10 = vector.shape_cast %get3A_9 : vector<1x128x32xf32> to vector<128x32xf32>
    %get3A_11 = arith.constant 0 : index
    %get3A_12 = arith.constant 0 : index
    %get3A_13 = memref.load %arg6[%get3A_11, %get3A_12] : memref<1x2xf32, #tpu.memory_space<smem>>
    %get3A_14 = arith.constant 0 : index
    %get3A_15 = arith.constant 1 : index
    %get3A_16 = memref.load %arg6[%get3A_14, %get3A_15] : memref<1x2xf32, #tpu.memory_space<smem>>
    %mul3A = vector.broadcast %get3A_13 : f32 to vector<128x32xf32>
    %mul3A_17 = arith.mulf %mul3A, %get3A_10 : vector<128x32xf32>
    %iota3A = tpu.iota {dimensions = array<i32: 0>} : vector<128x4xi32>
    %jit3A = arith.constant 32 : i32
    %div3A = vector.broadcast %jit3A : i32 to vector<128x4xi32>
    %div3A_18 = arith.divsi %iota3A, %div3A : vector<128x4xi32>
    %sign3A = arith.constant 0 : i32
    %sign3A_19 = vector.broadcast %sign3A : i32 to vector<128x4xi32>
    %sign3A_20 = arith.cmpi sgt, %iota3A, %sign3A_19 : vector<128x4xi32>
    %sign3A_21 = arith.extui %sign3A_20 : vector<128x4xi1> to vector<128x4xi32>
    %sign3A_22 = arith.constant 0 : i32
    %sign3A_23 = vector.broadcast %sign3A_22 : i32 to vector<128x4xi32>
    %sign3A_24 = arith.cmpi slt, %iota3A, %sign3A_23 : vector<128x4xi32>
    %sign3A_25 = arith.extui %sign3A_24 : vector<128x4xi1> to vector<128x4xi32>
    %sign3A_26 = arith.subi %sign3A_21, %sign3A_25 : vector<128x4xi32>
    %sign3A_27 = arith.constant 0 : i32
    %sign3A_28 = arith.cmpi sgt, %jit3A, %sign3A_27 : i32
    %sign3A_29 = arith.extui %sign3A_28 : i1 to i32
    %sign3A_30 = arith.constant 0 : i32
    %sign3A_31 = arith.cmpi slt, %jit3A, %sign3A_30 : i32
    %sign3A_32 = arith.extui %sign3A_31 : i1 to i32
    %sign3A_33 = arith.subi %sign3A_29, %sign3A_32 : i32
    %ne3A = vector.broadcast %sign3A_33 : i32 to vector<128x4xi32>
    %ne3A_34 = arith.cmpi ne, %sign3A_26, %ne3A : vector<128x4xi32>
    %rem3A = vector.broadcast %jit3A : i32 to vector<128x4xi32>
    %rem3A_35 = arith.remsi %iota3A, %rem3A : vector<128x4xi32>
    %ne3A_36 = arith.constant 0 : i32
    %ne3A_37 = vector.broadcast %ne3A_36 : i32 to vector<128x4xi32>
    %ne3A_38 = arith.cmpi ne, %rem3A_35, %ne3A_37 : vector<128x4xi32>
    %and3A = arith.andi %ne3A_34, %ne3A_38 : vector<128x4xi1>
    %sub3A = arith.constant 1 : i32
    %sub3A_39 = vector.broadcast %sub3A : i32 to vector<128x4xi32>
    %sub3A_40 = arith.subi %div3A_18, %sub3A_39 : vector<128x4xi32>
    %select_n3A = arith.select %and3A, %sub3A_40, %div3A_18 : vector<128x4xi1>, vector<128x4xi32>
    %iota3A_41 = tpu.iota {dimensions = array<i32: 1>} : vector<128x4xi32>
    %eq3A = arith.cmpi eq, %select_n3A, %iota3A_41 : vector<128x4xi32>
    %convert_element_type3A = arith.extui %eq3A : vector<128x4xi1> to vector<128x4xi32>
    %convert_element_type3A_42 = arith.sitofp %convert_element_type3A : vector<128x4xi32> to vector<128x4xf32>
    %iota3A_43 = tpu.iota {dimensions = array<i32: 0>} : vector<128x32xi32>
    %jit3A_44 = arith.constant 32 : i32
    %eq3A_45 = arith.constant 0 : i32
    %eq3A_46 = arith.cmpi eq, %jit3A_44, %eq3A_45 : i32
    %jit3A_47 = arith.constant 1 : i32
    %select_n3A_48 = arith.select %eq3A_46, %jit3A_47, %jit3A_44 : i32
    %rem3A_49 = vector.broadcast %select_n3A_48 : i32 to vector<128x32xi32>
    %rem3A_50 = arith.remsi %iota3A_43, %rem3A_49 : vector<128x32xi32>
    %ne3A_51 = arith.constant 0 : i32
    %ne3A_52 = vector.broadcast %ne3A_51 : i32 to vector<128x32xi32>
    %ne3A_53 = arith.cmpi ne, %rem3A_50, %ne3A_52 : vector<128x32xi32>
    %lt3A = arith.constant 0 : i32
    %lt3A_54 = vector.broadcast %lt3A : i32 to vector<128x32xi32>
    %lt3A_55 = arith.cmpi slt, %rem3A_50, %lt3A_54 : vector<128x32xi32>
    %lt3A_56 = arith.constant 0 : i32
    %lt3A_57 = arith.cmpi slt, %select_n3A_48, %lt3A_56 : i32
    %ne3A_58 = vector.broadcast %lt3A_57 : i1 to vector<128x32xi1>
    %ne3A_59 = vector.broadcast %ne3A_58 : vector<128x32xi1> to vector<128x32xi1>
    %ne3A_60 = arith.xori %lt3A_55, %ne3A_59 : vector<128x32xi1>
    %and3A_61 = arith.andi %ne3A_60, %ne3A_53 : vector<128x32xi1>
    %add3A = vector.broadcast %select_n3A_48 : i32 to vector<128x32xi32>
    %add3A_62 = arith.addi %rem3A_50, %add3A : vector<128x32xi32>
    %select_n3A_63 = arith.select %and3A_61, %add3A_62, %rem3A_50 : vector<128x32xi1>, vector<128x32xi32>
    %iota3A_64 = tpu.iota {dimensions = array<i32: 1>} : vector<128x32xi32>
    %eq3A_65 = arith.cmpi eq, %select_n3A_63, %iota3A_64 : vector<128x32xi32>
    %convert_element_type3A_66 = arith.extui %eq3A_65 : vector<128x32xi1> to vector<128x32xi32>
    %convert_element_type3A_67 = arith.sitofp %convert_element_type3A_66 : vector<128x32xi32> to vector<128x32xf32>
    %transpose3A = tpu.transpose %convert_element_type3A_67, [1, 0] : vector<128x32xf32> -> vector<32x128xf32>
    %transpose3A_68 = tpu.transpose %convert_element_type3A_42, [1, 0] : vector<128x4xf32> -> vector<4x128xf32>
    %get3A_69 = arith.constant 0 : index
    %get3A_70 = arith.constant 0 : index
    %get3A_71 = arith.constant 0 : index
    %get3A_72 = arith.constant 0 : index
    %get3A_73 = vector.load %arg2[%get3A_69, %get3A_70, %get3A_71, %get3A_72] : memref<1x4x128x32xf32, #tpu.memory_space<vmem>>, vector<1x1x128x32xf32>
    %get3A_74 = vector.shape_cast %get3A_73 : vector<1x1x128x32xf32> to vector<128x32xf32>
    %mul3A_75 = arith.constant 0.176776692 : f32
    %mul3A_76 = vector.broadcast %mul3A_75 : f32 to vector<128x32xf32>
    %mul3A_77 = arith.mulf %get3A_74, %mul3A_76 : vector<128x32xf32>
    %dot_general3A = arith.constant dense<0.000000e+00> : vector<128x128xf32>
    %dot_general3A_78 = tpu.matmul %mul3A_77, %transpose3A, %dot_general3A {dimension_numbers = #tpu.dot_dimension_numbers<[1], [0], [0], [1], [0, 0, 1, 1], [], []>, transpose_lhs_hint = false} : vector<128x32xf32>, vector<32x128xf32>, vector<128x128xf32> -> vector<128x128xf32>
    %broadcast_in_dim3A = vector.shape_cast %dot_general3A_78 : vector<128x128xf32> to vector<128x1x128xf32>
    %mul3A_79 = vector.broadcast %broadcast_in_dim3A : vector<128x1x128xf32> to vector<128x16x128xf32>
    %mul3A_80 = arith.mulf %reshape3A, %mul3A_79 : vector<128x16x128xf32>
    %reshape3A_81 = vector.shape_cast %mul3A_80 : vector<128x16x128xf32> to vector<2048x128xf32>
    %dot_general3A_82 = arith.constant dense<0.000000e+00> : vector<2048x4xf32>
    %dot_general3A_83 = tpu.matmul %reshape3A_81, %convert_element_type3A_42, %dot_general3A_82 {dimension_numbers = #tpu.dot_dimension_numbers<[1], [0], [0], [1], [0, 0, 1, 1], [], []>, transpose_lhs_hint = false} : vector<2048x128xf32>, vector<128x4xf32>, vector<2048x4xf32> -> vector<2048x4xf32>
    %dot_general3A_84 = arith.constant dense<0.000000e+00> : vector<2048x128xf32>
    %dot_general3A_85 = tpu.matmul %dot_general3A_83, %transpose3A_68, %dot_general3A_84 {dimension_numbers = #tpu.dot_dimension_numbers<[1], [0], [0], [1], [0, 0, 1, 1], [], []>, transpose_lhs_hint = false} : vector<2048x4xf32>, vector<4x128xf32>, vector<2048x128xf32> -> vector<2048x128xf32>
    %reshape3A_86 = vector.shape_cast %dot_general3A_85 : vector<2048x128xf32> to vector<128x16x128xf32>
    %reduce_max3A = arith.constant dense<0xFF800000> : vector<128x16xf32>
    %reduce_max3A_87 = vector.multi_reduction <maximumf>, %reshape3A_86, %reduce_max3A [2] : vector<128x16x128xf32> to vector<128x16xf32>
    %broadcast_in_dim3A_88 = vector.shape_cast %reduce_max3A_87 : vector<128x16xf32> to vector<128x16x1xf32>
    %reduce_max3A_89 = arith.constant dense<0xFF800000> : vector<128x1xf32>
    %reduce_max3A_90 = vector.multi_reduction <maximumf>, %broadcast_in_dim3A_88, %reduce_max3A_89 [1] : vector<128x16x1xf32> to vector<128x1xf32>
    %broadcast_in_dim3A_91 = vector.shape_cast %reduce_max3A_90 : vector<128x1xf32> to vector<128x1x1xf32>
    %sub3A_92 = vector.broadcast %broadcast_in_dim3A_91 : vector<128x1x1xf32> to vector<128x16x128xf32>
    %sub3A_93 = arith.subf %reshape3A_86, %sub3A_92 : vector<128x16x128xf32>
    %exp3A = math.exp %sub3A_93 : vector<128x16x128xf32>
    %reduce_sum3A = arith.constant dense<0.000000e+00> : vector<128x16xf32>
    %reduce_sum3A_94 = vector.multi_reduction <add>, %exp3A, %reduce_sum3A [2] : vector<128x16x128xf32> to vector<128x16xf32>
    %broadcast_in_dim3A_95 = vector.shape_cast %reduce_sum3A_94 : vector<128x16xf32> to vector<128x16x1xf32>
    %reduce_sum3A_96 = arith.constant dense<0.000000e+00> : vector<128x1xf32>
    %reduce_sum3A_97 = vector.multi_reduction <add>, %broadcast_in_dim3A_95, %reduce_sum3A_96 [1] : vector<128x16x1xf32> to vector<128x1xf32>
    %broadcast_in_dim3A_98 = vector.shape_cast %reduce_sum3A_97 : vector<128x1xf32> to vector<128x1x1xf32>
    %mul3A_99 = arith.mulf %exp3A, %reshape3A_5 : vector<128x16x128xf32>
    %reduce_sum3A_100 = arith.constant dense<0.000000e+00> : vector<128x128xf32>
    %reduce_sum3A_101 = vector.multi_reduction <add>, %mul3A_99, %reduce_sum3A_100 [1] : vector<128x16x128xf32> to vector<128x128xf32>
    %dot_general3A_102 = arith.constant dense<0.000000e+00> : vector<128x32xf32>
    %dot_general3A_103 = tpu.matmul %reduce_sum3A_101, %convert_element_type3A_67, %dot_general3A_102 {dimension_numbers = #tpu.dot_dimension_numbers<[1], [0], [0], [1], [0, 0, 1, 1], [], []>, transpose_lhs_hint = false} : vector<128x128xf32>, vector<128x32xf32>, vector<128x32xf32> -> vector<128x32xf32>
    %squeeze3A = vector.shape_cast %broadcast_in_dim3A_98 : vector<128x1x1xf32> to vector<128x1xf32>
    %div3A_104 = arith.constant 3.200000e+01 : f32
    %div3A_105 = vector.broadcast %div3A_104 : f32 to vector<128x1xf32>
    %div3A_106 = arith.divf %div3A_105, %squeeze3A : vector<128x1xf32>
    %mul3A_107 = vector.broadcast %div3A_106 : vector<128x1xf32> to vector<128x32xf32>
    %mul3A_108 = arith.mulf %dot_general3A_103, %mul3A_107 : vector<128x32xf32>
    %mul3A_109 = vector.broadcast %get3A_16 : f32 to vector<128x32xf32>
    %mul3A_110 = arith.mulf %mul3A_109, %mul3A_108 : vector<128x32xf32>
    %add3A_111 = arith.addf %mul3A_17, %mul3A_110 : vector<128x32xf32>
    %reshape3A_112 = vector.shape_cast %add3A_111 : vector<128x32xf32> to vector<4x32x32xf32>
    %swap3A = arith.constant 0 : index
    %swap3A_113 = arith.constant 0 : index
    %swap3A_114 = arith.constant 0 : index
    %swap3A_115 = arith.constant 0 : index
    %swap3A_116 = arith.index_cast %arg1 : i32 to index
    %swap3A_117 = arith.constant 0 : index
    %swap3A_118 = vector.load %arg7[%swap3A, %swap3A_113, %swap3A_114, %swap3A_115, %swap3A_116, %swap3A_117] : memref<4x2x32x2x8x32xf32, #tpu.memory_space<vmem>>, vector<4x1x32x1x1x32xf32>
    %swap3A_119 = vector.shape_cast %swap3A_118 : vector<4x1x32x1x1x32xf32> to vector<4x32x32xf32>
    %swap3A_120 = vector.shape_cast %reshape3A_112 : vector<4x32x32xf32> to vector<4x1x32x1x1x32xf32>
    tpu.vector_store %arg7[%swap3A, %swap3A_113, %swap3A_114, %swap3A_115, %swap3A_116, %swap3A_117], %swap3A_120 {strides = array<i32>} : memref<4x2x32x2x8x32xf32, #tpu.memory_space<vmem>>, vector<4x1x32x1x1x32xf32>,
    %get3A_121 = arith.constant 0 : index
    %get3A_122 = arith.constant 1 : index
    %get3A_123 = arith.constant 0 : index
    %get3A_124 = arith.constant 0 : index
    %get3A_125 = vector.load %arg2[%get3A_121, %get3A_122, %get3A_123, %get3A_124] : memref<1x4x128x32xf32, #tpu.memory_space<vmem>>, vector<1x1x128x32xf32>
    %get3A_126 = vector.shape_cast %get3A_125 : vector<1x1x128x32xf32> to vector<128x32xf32>
    %mul3A_127 = arith.constant 0.176776692 : f32
    %mul3A_128 = vector.broadcast %mul3A_127 : f32 to vector<128x32xf32>
    %mul3A_129 = arith.mulf %get3A_126, %mul3A_128 : vector<128x32xf32>
    %dot_general3A_130 = arith.constant dense<0.000000e+00> : vector<128x128xf32>
    %dot_general3A_131 = tpu.matmul %mul3A_129, %transpose3A, %dot_general3A_130 {dimension_numbers = #tpu.dot_dimension_numbers<[1], [0], [0], [1], [0, 0, 1, 1], [], []>, transpose_lhs_hint = false} : vector<128x32xf32>, vector<32x128xf32>, vector<128x128xf32> -> vector<128x128xf32>
    %broadcast_in_dim3A_132 = vector.shape_cast %dot_general3A_131 : vector<128x128xf32> to vector<128x1x128xf32>
    %mul3A_133 = vector.broadcast %broadcast_in_dim3A_132 : vector<128x1x128xf32> to vector<128x16x128xf32>
    %mul3A_134 = arith.mulf %reshape3A, %mul3A_133 : vector<128x16x128xf32>
    %reshape3A_135 = vector.shape_cast %mul3A_134 : vector<128x16x128xf32> to vector<2048x128xf32>
    %dot_general3A_136 = arith.constant dense<0.000000e+00> : vector<2048x4xf32>
    %dot_general3A_137 = tpu.matmul %reshape3A_135, %convert_element_type3A_42, %dot_general3A_136 {dimension_numbers = #tpu.dot_dimension_numbers<[1], [0], [0], [1], [0, 0, 1, 1], [], []>, transpose_lhs_hint = false} : vector<2048x128xf32>, vector<128x4xf32>, vector<2048x4xf32> -> vector<2048x4xf32>
    %dot_general3A_138 = arith.constant dense<0.000000e+00> : vector<2048x128xf32>
    %dot_general3A_139 = tpu.matmul %dot_general3A_137, %transpose3A_68, %dot_general3A_138 {dimension_numbers = #tpu.dot_dimension_numbers<[1], [0], [0], [1], [0, 0, 1, 1], [], []>, transpose_lhs_hint = false} : vector<2048x4xf32>, vector<4x128xf32>, vector<2048x128xf32> -> vector<2048x128xf32>
    %reshape3A_140 = vector.shape_cast %dot_general3A_139 : vector<2048x128xf32> to vector<128x16x128xf32>
    %reduce_max3A_141 = arith.constant dense<0xFF800000> : vector<128x16xf32>
    %reduce_max3A_142 = vector.multi_reduction <maximumf>, %reshape3A_140, %reduce_max3A_141 [2] : vector<128x16x128xf32> to vector<128x16xf32>
    %broadcast_in_dim3A_143 = vector.shape_cast %reduce_max3A_142 : vector<128x16xf32> to vector<128x16x1xf32>
    %reduce_max3A_144 = arith.constant dense<0xFF800000> : vector<128x1xf32>
    %reduce_max3A_145 = vector.multi_reduction <maximumf>, %broadcast_in_dim3A_143, %reduce_max3A_144 [1] : vector<128x16x1xf32> to vector<128x1xf32>
    %broadcast_in_dim3A_146 = vector.shape_cast %reduce_max3A_145 : vector<128x1xf32> to vector<128x1x1xf32>
    %sub3A_147 = vector.broadcast %broadcast_in_dim3A_146 : vector<128x1x1xf32> to vector<128x16x128xf32>
    %sub3A_148 = arith.subf %reshape3A_140, %sub3A_147 : vector<128x16x128xf32>
    %exp3A_149 = math.exp %sub3A_148 : vector<128x16x128xf32>
    %reduce_sum3A_150 = arith.constant dense<0.000000e+00> : vector<128x16xf32>
    %reduce_sum3A_151 = vector.multi_reduction <add>, %exp3A_149, %reduce_sum3A_150 [2] : vector<128x16x128xf32> to vector<128x16xf32>
    %broadcast_in_dim3A_152 = vector.shape_cast %reduce_sum3A_151 : vector<128x16xf32> to vector<128x16x1xf32>
    %reduce_sum3A_153 = arith.constant dense<0.000000e+00> : vector<128x1xf32>
    %reduce_sum3A_154 = vector.multi_reduction <add>, %broadcast_in_dim3A_152, %reduce_sum3A_153 [1] : vector<128x16x1xf32> to vector<128x1xf32>
    %broadcast_in_dim3A_155 = vector.shape_cast %reduce_sum3A_154 : vector<128x1xf32> to vector<128x1x1xf32>
    %mul3A_156 = arith.mulf %exp3A_149, %reshape3A_5 : vector<128x16x128xf32>
    %reduce_sum3A_157 = arith.constant dense<0.000000e+00> : vector<128x128xf32>
    %reduce_sum3A_158 = vector.multi_reduction <add>, %mul3A_156, %reduce_sum3A_157 [1] : vector<128x16x128xf32> to vector<128x128xf32>
    %dot_general3A_159 = arith.constant dense<0.000000e+00> : vector<128x32xf32>
    %dot_general3A_160 = tpu.matmul %reduce_sum3A_158, %convert_element_type3A_67, %dot_general3A_159 {dimension_numbers = #tpu.dot_dimension_numbers<[1], [0], [0], [1], [0, 0, 1, 1], [], []>, transpose_lhs_hint = false} : vector<128x128xf32>, vector<128x32xf32>, vector<128x32xf32> -> vector<128x32xf32>
    %squeeze3A_161 = vector.shape_cast %broadcast_in_dim3A_155 : vector<128x1x1xf32> to vector<128x1xf32>
    %div3A_162 = arith.constant 3.200000e+01 : f32
    %div3A_163 = vector.broadcast %div3A_162 : f32 to vector<128x1xf32>
    %div3A_164 = arith.divf %div3A_163, %squeeze3A_161 : vector<128x1xf32>
    %mul3A_165 = vector.broadcast %div3A_164 : vector<128x1xf32> to vector<128x32xf32>
    %mul3A_166 = arith.mulf %dot_general3A_160, %mul3A_165 : vector<128x32xf32>
    %mul3A_167 = vector.broadcast %get3A_16 : f32 to vector<128x32xf32>
    %mul3A_168 = arith.mulf %mul3A_167, %mul3A_166 : vector<128x32xf32>
    %add3A_169 = arith.addf %mul3A_17, %mul3A_168 : vector<128x32xf32>
    %reshape3A_170 = vector.shape_cast %add3A_169 : vector<128x32xf32> to vector<4x32x32xf32>
    %swap3A_171 = arith.constant 0 : index
    %swap3A_172 = arith.constant 0 : index
    %swap3A_173 = arith.constant 0 : index
    %swap3A_174 = arith.constant 1 : index
    %swap3A_175 = arith.index_cast %arg1 : i32 to index
    %swap3A_176 = arith.constant 0 : index
    %swap3A_177 = vector.load %arg7[%swap3A_171, %swap3A_172, %swap3A_173, %swap3A_174, %swap3A_175, %swap3A_176] : memref<4x2x32x2x8x32xf32, #tpu.memory_space<vmem>>, vector<4x1x32x1x1x32xf32>
    %swap3A_178 = vector.shape_cast %swap3A_177 : vector<4x1x32x1x1x32xf32> to vector<4x32x32xf32>
    %swap3A_179 = vector.shape_cast %reshape3A_170 : vector<4x32x32xf32> to vector<4x1x32x1x1x32xf32>
    tpu.vector_store %arg7[%swap3A_171, %swap3A_172, %swap3A_173, %swap3A_174, %swap3A_175, %swap3A_176], %swap3A_179 {strides = array<i32>} : memref<4x2x32x2x8x32xf32, #tpu.memory_space<vmem>>, vector<4x1x32x1x1x32xf32>,
    %get3A_180 = arith.constant 0 : index
    %get3A_181 = arith.constant 2 : index
    %get3A_182 = arith.constant 0 : index
    %get3A_183 = arith.constant 0 : index
    %get3A_184 = vector.load %arg2[%get3A_180, %get3A_181, %get3A_182, %get3A_183] : memref<1x4x128x32xf32, #tpu.memory_space<vmem>>, vector<1x1x128x32xf32>
    %get3A_185 = vector.shape_cast %get3A_184 : vector<1x1x128x32xf32> to vector<128x32xf32>
    %mul3A_186 = arith.constant 0.176776692 : f32
    %mul3A_187 = vector.broadcast %mul3A_186 : f32 to vector<128x32xf32>
    %mul3A_188 = arith.mulf %get3A_185, %mul3A_187 : vector<128x32xf32>
    %dot_general3A_189 = arith.constant dense<0.000000e+00> : vector<128x128xf32>
    %dot_general3A_190 = tpu.matmul %mul3A_188, %transpose3A, %dot_general3A_189 {dimension_numbers = #tpu.dot_dimension_numbers<[1], [0], [0], [1], [0, 0, 1, 1], [], []>, transpose_lhs_hint = false} : vector<128x32xf32>, vector<32x128xf32>, vector<128x128xf32> -> vector<128x128xf32>
    %broadcast_in_dim3A_191 = vector.shape_cast %dot_general3A_190 : vector<128x128xf32> to vector<128x1x128xf32>
    %mul3A_192 = vector.broadcast %broadcast_in_dim3A_191 : vector<128x1x128xf32> to vector<128x16x128xf32>
    %mul3A_193 = arith.mulf %reshape3A, %mul3A_192 : vector<128x16x128xf32>
    %reshape3A_194 = vector.shape_cast %mul3A_193 : vector<128x16x128xf32> to vector<2048x128xf32>
    %dot_general3A_195 = arith.constant dense<0.000000e+00> : vector<2048x4xf32>
    %dot_general3A_196 = tpu.matmul %reshape3A_194, %convert_element_type3A_42, %dot_general3A_195 {dimension_numbers = #tpu.dot_dimension_numbers<[1], [0], [0], [1], [0, 0, 1, 1], [], []>, transpose_lhs_hint = false} : vector<2048x128xf32>, vector<128x4xf32>, vector<2048x4xf32> -> vector<2048x4xf32>
    %dot_general3A_197 = arith.constant dense<0.000000e+00> : vector<2048x128xf32>
    %dot_general3A_198 = tpu.matmul %dot_general3A_196, %transpose3A_68, %dot_general3A_197 {dimension_numbers = #tpu.dot_dimension_numbers<[1], [0], [0], [1], [0, 0, 1, 1], [], []>, transpose_lhs_hint = false} : vector<2048x4xf32>, vector<4x128xf32>, vector<2048x128xf32> -> vector<2048x128xf32>
    %reshape3A_199 = vector.shape_cast %dot_general3A_198 : vector<2048x128xf32> to vector<128x16x128xf32>
    %reduce_max3A_200 = arith.constant dense<0xFF800000> : vector<128x16xf32>
    %reduce_max3A_201 = vector.multi_reduction <maximumf>, %reshape3A_199, %reduce_max3A_200 [2] : vector<128x16x128xf32> to vector<128x16xf32>
    %broadcast_in_dim3A_202 = vector.shape_cast %reduce_max3A_201 : vector<128x16xf32> to vector<128x16x1xf32>
    %reduce_max3A_203 = arith.constant dense<0xFF800000> : vector<128x1xf32>
    %reduce_max3A_204 = vector.multi_reduction <maximumf>, %broadcast_in_dim3A_202, %reduce_max3A_203 [1] : vector<128x16x1xf32> to vector<128x1xf32>
    %broadcast_in_dim3A_205 = vector.shape_cast %reduce_max3A_204 : vector<128x1xf32> to vector<128x1x1xf32>
    %sub3A_206 = vector.broadcast %broadcast_in_dim3A_205 : vector<128x1x1xf32> to vector<128x16x128xf32>
    %sub3A_207 = arith.subf %reshape3A_199, %sub3A_206 : vector<128x16x128xf32>
    %exp3A_208 = math.exp %sub3A_207 : vector<128x16x128xf32>
    %reduce_sum3A_209 = arith.constant dense<0.000000e+00> : vector<128x16xf32>
    %reduce_sum3A_210 = vector.multi_reduction <add>, %exp3A_208, %reduce_sum3A_209 [2] : vector<128x16x128xf32> to vector<128x16xf32>
    %broadcast_in_dim3A_211 = vector.shape_cast %reduce_sum3A_210 : vector<128x16xf32> to vector<128x16x1xf32>
    %reduce_sum3A_212 = arith.constant dense<0.000000e+00> : vector<128x1xf32>
    %reduce_sum3A_213 = vector.multi_reduction <add>, %broadcast_in_dim3A_211, %reduce_sum3A_212 [1] : vector<128x16x1xf32> to vector<128x1xf32>
    %broadcast_in_dim3A_214 = vector.shape_cast %reduce_sum3A_213 : vector<128x1xf32> to vector<128x1x1xf32>
    %mul3A_215 = arith.mulf %exp3A_208, %reshape3A_5 : vector<128x16x128xf32>
    %reduce_sum3A_216 = arith.constant dense<0.000000e+00> : vector<128x128xf32>
    %reduce_sum3A_217 = vector.multi_reduction <add>, %mul3A_215, %reduce_sum3A_216 [1] : vector<128x16x128xf32> to vector<128x128xf32>
    %dot_general3A_218 = arith.constant dense<0.000000e+00> : vector<128x32xf32>
    %dot_general3A_219 = tpu.matmul %reduce_sum3A_217, %convert_element_type3A_67, %dot_general3A_218 {dimension_numbers = #tpu.dot_dimension_numbers<[1], [0], [0], [1], [0, 0, 1, 1], [], []>, transpose_lhs_hint = false} : vector<128x128xf32>, vector<128x32xf32>, vector<128x32xf32> -> vector<128x32xf32>
    %squeeze3A_220 = vector.shape_cast %broadcast_in_dim3A_214 : vector<128x1x1xf32> to vector<128x1xf32>
    %div3A_221 = arith.constant 3.200000e+01 : f32
    %div3A_222 = vector.broadcast %div3A_221 : f32 to vector<128x1xf32>
    %div3A_223 = arith.divf %div3A_222, %squeeze3A_220 : vector<128x1xf32>
    %mul3A_224 = vector.broadcast %div3A_223 : vector<128x1xf32> to vector<128x32xf32>
    %mul3A_225 = arith.mulf %dot_general3A_219, %mul3A_224 : vector<128x32xf32>
    %mul3A_226 = vector.broadcast %get3A_16 : f32 to vector<128x32xf32>
    %mul3A_227 = arith.mulf %mul3A_226, %mul3A_225 : vector<128x32xf32>
    %add3A_228 = arith.addf %mul3A_17, %mul3A_227 : vector<128x32xf32>
    %reshape3A_229 = vector.shape_cast %add3A_228 : vector<128x32xf32> to vector<4x32x32xf32>
    %swap3A_230 = arith.constant 0 : index
    %swap3A_231 = arith.constant 1 : index
    %swap3A_232 = arith.constant 0 : index
    %swap3A_233 = arith.constant 0 : index
    %swap3A_234 = arith.index_cast %arg1 : i32 to index
    %swap3A_235 = arith.constant 0 : index
    %swap3A_236 = vector.load %arg7[%swap3A_230, %swap3A_231, %swap3A_232, %swap3A_233, %swap3A_234, %swap3A_235] : memref<4x2x32x2x8x32xf32, #tpu.memory_space<vmem>>, vector<4x1x32x1x1x32xf32>
    %swap3A_237 = vector.shape_cast %swap3A_236 : vector<4x1x32x1x1x32xf32> to vector<4x32x32xf32>
    %swap3A_238 = vector.shape_cast %reshape3A_229 : vector<4x32x32xf32> to vector<4x1x32x1x1x32xf32>
    tpu.vector_store %arg7[%swap3A_230, %swap3A_231, %swap3A_232, %swap3A_233, %swap3A_234, %swap3A_235], %swap3A_238 {strides = array<i32>} : memref<4x2x32x2x8x32xf32, #tpu.memory_space<vmem>>, vector<4x1x32x1x1x32xf32>,
    %get3A_239 = arith.constant 0 : index
    %get3A_240 = arith.constant 3 : index
    %get3A_241 = arith.constant 0 : index
    %get3A_242 = arith.constant 0 : index
    %get3A_243 = vector.load %arg2[%get3A_239, %get3A_240, %get3A_241, %get3A_242] : memref<1x4x128x32xf32, #tpu.memory_space<vmem>>, vector<1x1x128x32xf32>
    %get3A_244 = vector.shape_cast %get3A_243 : vector<1x1x128x32xf32> to vector<128x32xf32>
    %mul3A_245 = arith.constant 0.176776692 : f32
    %mul3A_246 = vector.broadcast %mul3A_245 : f32 to vector<128x32xf32>
    %mul3A_247 = arith.mulf %get3A_244, %mul3A_246 : vector<128x32xf32>
    %dot_general3A_248 = arith.constant dense<0.000000e+00> : vector<128x128xf32>
    %dot_general3A_249 = tpu.matmul %mul3A_247, %transpose3A, %dot_general3A_248 {dimension_numbers = #tpu.dot_dimension_numbers<[1], [0], [0], [1], [0, 0, 1, 1], [], []>, transpose_lhs_hint = false} : vector<128x32xf32>, vector<32x128xf32>, vector<128x128xf32> -> vector<128x128xf32>
    %broadcast_in_dim3A_250 = vector.shape_cast %dot_general3A_249 : vector<128x128xf32> to vector<128x1x128xf32>
    %mul3A_251 = vector.broadcast %broadcast_in_dim3A_250 : vector<128x1x128xf32> to vector<128x16x128xf32>
    %mul3A_252 = arith.mulf %reshape3A, %mul3A_251 : vector<128x16x128xf32>
    %reshape3A_253 = vector.shape_cast %mul3A_252 : vector<128x16x128xf32> to vector<2048x128xf32>
    %dot_general3A_254 = arith.constant dense<0.000000e+00> : vector<2048x4xf32>
    %dot_general3A_255 = tpu.matmul %reshape3A_253, %convert_element_type3A_42, %dot_general3A_254 {dimension_numbers = #tpu.dot_dimension_numbers<[1], [0], [0], [1], [0, 0, 1, 1], [], []>, transpose_lhs_hint = false} : vector<2048x128xf32>, vector<128x4xf32>, vector<2048x4xf32> -> vector<2048x4xf32>
    %dot_general3A_256 = arith.constant dense<0.000000e+00> : vector<2048x128xf32>
    %dot_general3A_257 = tpu.matmul %dot_general3A_255, %transpose3A_68, %dot_general3A_256 {dimension_numbers = #tpu.dot_dimension_numbers<[1], [0], [0], [1], [0, 0, 1, 1], [], []>, transpose_lhs_hint = false} : vector<2048x4xf32>, vector<4x128xf32>, vector<2048x128xf32> -> vector<2048x128xf32>
    %reshape3A_258 = vector.shape_cast %dot_general3A_257 : vector<2048x128xf32> to vector<128x16x128xf32>
    %reduce_max3A_259 = arith.constant dense<0xFF800000> : vector<128x16xf32>
    %reduce_max3A_260 = vector.multi_reduction <maximumf>, %reshape3A_258, %reduce_max3A_259 [2] : vector<128x16x128xf32> to vector<128x16xf32>
    %broadcast_in_dim3A_261 = vector.shape_cast %reduce_max3A_260 : vector<128x16xf32> to vector<128x16x1xf32>
    %reduce_max3A_262 = arith.constant dense<0xFF800000> : vector<128x1xf32>
    %reduce_max3A_263 = vector.multi_reduction <maximumf>, %broadcast_in_dim3A_261, %reduce_max3A_262 [1] : vector<128x16x1xf32> to vector<128x1xf32>
    %broadcast_in_dim3A_264 = vector.shape_cast %reduce_max3A_263 : vector<128x1xf32> to vector<128x1x1xf32>
    %sub3A_265 = vector.broadcast %broadcast_in_dim3A_264 : vector<128x1x1xf32> to vector<128x16x128xf32>
    %sub3A_266 = arith.subf %reshape3A_258, %sub3A_265 : vector<128x16x128xf32>
    %exp3A_267 = math.exp %sub3A_266 : vector<128x16x128xf32>
    %reduce_sum3A_268 = arith.constant dense<0.000000e+00> : vector<128x16xf32>
    %reduce_sum3A_269 = vector.multi_reduction <add>, %exp3A_267, %reduce_sum3A_268 [2] : vector<128x16x128xf32> to vector<128x16xf32>
    %broadcast_in_dim3A_270 = vector.shape_cast %reduce_sum3A_269 : vector<128x16xf32> to vector<128x16x1xf32>
    %reduce_sum3A_271 = arith.constant dense<0.000000e+00> : vector<128x1xf32>
    %reduce_sum3A_272 = vector.multi_reduction <add>, %broadcast_in_dim3A_270, %reduce_sum3A_271 [1] : vector<128x16x1xf32> to vector<128x1xf32>
    %broadcast_in_dim3A_273 = vector.shape_cast %reduce_sum3A_272 : vector<128x1xf32> to vector<128x1x1xf32>
    %mul3A_274 = arith.mulf %exp3A_267, %reshape3A_5 : vector<128x16x128xf32>
    %reduce_sum3A_275 = arith.constant dense<0.000000e+00> : vector<128x128xf32>
    %reduce_sum3A_276 = vector.multi_reduction <add>, %mul3A_274, %reduce_sum3A_275 [1] : vector<128x16x128xf32> to vector<128x128xf32>
    %dot_general3A_277 = arith.constant dense<0.000000e+00> : vector<128x32xf32>
    %dot_general3A_278 = tpu.matmul %reduce_sum3A_276, %convert_element_type3A_67, %dot_general3A_277 {dimension_numbers = #tpu.dot_dimension_numbers<[1], [0], [0], [1], [0, 0, 1, 1], [], []>, transpose_lhs_hint = false} : vector<128x128xf32>, vector<128x32xf32>, vector<128x32xf32> -> vector<128x32xf32>
    %squeeze3A_279 = vector.shape_cast %broadcast_in_dim3A_273 : vector<128x1x1xf32> to vector<128x1xf32>
    %div3A_280 = arith.constant 3.200000e+01 : f32
    %div3A_281 = vector.broadcast %div3A_280 : f32 to vector<128x1xf32>
    %div3A_282 = arith.divf %div3A_281, %squeeze3A_279 : vector<128x1xf32>
    %mul3A_283 = vector.broadcast %div3A_282 : vector<128x1xf32> to vector<128x32xf32>
    %mul3A_284 = arith.mulf %dot_general3A_278, %mul3A_283 : vector<128x32xf32>
    %mul3A_285 = vector.broadcast %get3A_16 : f32 to vector<128x32xf32>
    %mul3A_286 = arith.mulf %mul3A_285, %mul3A_284 : vector<128x32xf32>
    %add3A_287 = arith.addf %mul3A_17, %mul3A_286 : vector<128x32xf32>
    %reshape3A_288 = vector.shape_cast %add3A_287 : vector<128x32xf32> to vector<4x32x32xf32>
    %swap3A_289 = arith.constant 0 : index
    %swap3A_290 = arith.constant 1 : index
    %swap3A_291 = arith.constant 0 : index
    %swap3A_292 = arith.constant 1 : index
    %swap3A_293 = arith.index_cast %arg1 : i32 to index
    %swap3A_294 = arith.constant 0 : index
    %swap3A_295 = vector.load %arg7[%swap3A_289, %swap3A_290, %swap3A_291, %swap3A_292, %swap3A_293, %swap3A_294] : memref<4x2x32x2x8x32xf32, #tpu.memory_space<vmem>>, vector<4x1x32x1x1x32xf32>
    %swap3A_296 = vector.shape_cast %swap3A_295 : vector<4x1x32x1x1x32xf32> to vector<4x32x32xf32>
    %swap3A_297 = vector.shape_cast %reshape3A_288 : vector<4x32x32xf32> to vector<4x1x32x1x1x32xf32>
    tpu.vector_store %arg7[%swap3A_289, %swap3A_290, %swap3A_291, %swap3A_292, %swap3A_293, %swap3A_294], %swap3A_297 {strides = array<i32>} : memref<4x2x32x2x8x32xf32, #tpu.memory_space<vmem>>, vector<4x1x32x1x1x32xf32>,
    return
  }
  func.func @transform_0(%arg0: i32, %arg1: i32) -> (i32, i32, i32, i32) {
    %c0_i32 = arith.constant 0 : i32
    %c0_i32_0 = arith.constant 0 : i32
    %c0_i32_1 = arith.constant 0 : i32
    return %arg1, %c0_i32, %arg0, %c0_i32_0 : i32, i32, i32, i32
  }
  func.func @transform_1(%arg0: i32, %arg1: i32) -> (i32, i32) {
    %mul3A = arith.constant 8 : i32
    %mul3A_0 = arith.muli %arg1, %mul3A : i32
    %add3A = arith.addi %mul3A_0, %arg0 : i32
    %c0_i32 = arith.constant 0 : i32
    %c0_i32_1 = arith.constant 0 : i32
    return %add3A, %c0_i32 : i32, i32
  }
  func.func @transform_2(%arg0: i32, %arg1: i32) -> (i32, i32) {
    %mul3A = arith.constant 8 : i32
    %mul3A_0 = arith.muli %arg1, %mul3A : i32
    %add3A = arith.addi %mul3A_0, %arg0 : i32
    %c0_i32 = arith.constant 0 : i32
    %c0_i32_1 = arith.constant 0 : i32
    return %add3A, %c0_i32 : i32, i32
  }
  func.func @transform_3(%arg0: i32, %arg1: i32) -> (i32, i32, i32) {
    %c0_i32 = arith.constant 0 : i32
    %c0_i32_0 = arith.constant 0 : i32
    return %arg1, %arg0, %c0_i32 : i32, i32, i32
  }
  func.func @transform_4(%arg0: i32, %arg1: i32) -> (i32, i32) {
    %c0_i32 = arith.constant 0 : i32
    %c0_i32_0 = arith.constant 0 : i32
    %c0_i32_1 = arith.constant 0 : i32
    return %c0_i32, %c0_i32_0 : i32, i32
  }
  func.func @transform_5(%arg0: i32, %arg1: i32) -> (i32, i32, i32, i32, i32, i32) {
    %c0_i32 = arith.constant 0 : i32
    %c0_i32_0 = arith.constant 0 : i32
    %c0_i32_1 = arith.constant 0 : i32
    %c0_i32_2 = arith.constant 0 : i32
    %c0_i32_3 = arith.constant 0 : i32
    %c0_i32_4 = arith.constant 0 : i32
    return %arg0, %c0_i32, %c0_i32_0, %c0_i32_1, %c0_i32_2, %c0_i32_3 : i32, i32, i32, i32, i32, i32
  }
}

</mosaic_0001>

<sc_bundles>
// kernel: kernel.5.cloned.1.call-start
scs
__scs_entry_jumppad:
0x0: {  	(pc) =	sbr.rel $0x88, $3  }
0x1: {  	(tag) =	ssettag $0x0;
	lr =	simm.s32 $0x1  }
0x2: {  	[smem:$0x3F9A] =	sst lr;
	_ =	strace $0xD0000000  }
0x3: {  	_ = 	snop  }
0x4: {  	_ = 	snop  }
0x5: {  	_ = 	snop  }
0x6: {  	_ = 	snop  }
0x7: {  	_ = 	snop  }
__scs_overlays_trampoline_lowered:
0x8: {  	[smem:$0x3FA9] =	sst s0  }
0x9: {  	[smem:$0x3FAA] =	sst s1  }
0xa: {  	[smem:$0x3FAB] =	sst s2  }
0xb: {  	[smem:$0x3FAC] =	sst s3  }
0xc: {  	[smem:$0x3FAD] =	sst s4  }
0xd: {  	[smem:$0x3FAE] =	sst s5  }
0xe: {  	[smem:$0x3FAF] =	sst s6  }
0xf: {  	[smem:$0x3FB0] =	sst s7  }
0x10: {  	[smem:$0x3FB1] =	sst s8  }
0x11: {  	[smem:$0x3FB2] =	sst s9;
	s0 =	simm.s32 @!p0 $0x0  }
0x12: {  	s1 =	sld [smem:$0x3F98];
	s0 =	simm.s32 @p0 $0x1  }
0x13: {  	[smem:$0x3FB3] =	sst s0;
	s0 =	simm.s32 @!p1 $0x0  }
0x14: {  	s2 =	sld [smem:$0x3F97];
	s0 =	simm.s32 @p1 $0x1  }
0x15: {  	[smem:$0x3FB4] =	sst s0;
	s0 =	simm.s32 @!p2 $0x0  }
0x16: {  	s3 =	sld [smem:$0x3FDB];
	s0 =	simm.s32 @p2 $0x1  }
0x17: {  	s4 =	simm.s32 $0x1BF5;
	[smem:$0x3FB6] =	sst s0  }
0x18: {  	s0 =	sld [smem:$0x3F99];
	_ =	swait.ge [sflag:s4], $0x0  }
0x19: {  	s7 =	sld [smem:$0x3F9A]  }
0x1a: {  	s8 =	sadd.s32 $0xFFFFE003, lr  }
0x1b: {  	s9 =	sadd.s32 $0xFFFFFEF7, lr;
	s5 =	simm.s32 $0xFFFFFFFF;
	p2 =	slt.u32 s8, $0xFFFFF086  }
0x1c: {  	p1 =	slt.u32 s9, $0xF7A;
	s5 =	simm.s32 @!p2 $0x0  }
0x1d: {  	s5 =	simm.s32 @p1 $0x1;
	p0 =	seq.s32 s7, s2  }
0x1e: {  	s7 =	smul.u32 @!p0 $0xF7A, s2;
	p2 =	seq.s32 @!p0 s5, $0x0  }
0x1f: {  	s9 =	smul.u32 $0xF7A, s1;
	s8 =	simm.s32 @!p0 $0x1BF5;
	p2 =	por !p2, p0  }
0x20: {  	[sflag:s8] =	ssyncset.s32 @!p0 $0xFFFFF086;
	s6 =	sadd.s32 @!p0 s3, s7;
	s7 =	simm.s32 @!p0 $0x108  }
0x21: {  	s3 =	sadd.s32 s3, s9;
	s6 =	sadd.s32 @!p0 $0x88, s6;
	s7 =	simm.s32 @p2 $0x1082  }
0x22: {  	[simem:s7], [sflag:s8] =	dma.local @!p0 [hbm:s6], $0xF7A  }
0x23: {  	s9 =	sor.u32 $0xD0000000, s2;
	s6 =	simm.s32 $0x108;
	_ =	swait.ge @!p0 [sflag:s8], $0x0  }
0x24: {  	s3 =	sadd.s32 $0x88, s3;
	s6 =	simm.s32 @!p1 $0x1082;
	[sflag:s4] =	ssyncset.s32 $0xFFFFF086  }
0x25: {  	[simem:s6], [sflag:s4] =	dma.local [hbm:s3], $0xF7A  }
0x26: {  	[smem:$0x3F9A] =	sst s1;
	(tag) =	ssettag s2;
	_ =	strace s9  }
0x27: {  	s1 =	sld [smem:$0x3FAA]  }
0x28: {  	s2 =	sld [smem:$0x3FAB]  }
0x29: {  	s4 =	sld [smem:$0x3FAD]  }
0x2a: {  	p0 =	seq.s32 s5, $0x0;
	s5 =	sld [smem:$0x3FAE]  }
0x2b: {  	s6 =	sld [smem:$0x3FAF]  }
0x2c: {  	s7 =	sld [smem:$0x3FB0]  }
0x2d: {  	s3 =	simm.s32 $0x108;
	s8 =	sld [smem:$0x3FB1]  }
0x2e: {  	s3 =	simm.s32 @!p0 $0x1082;
	s9 =	sld [smem:$0x3FB2]  }
0x2f: {  	lr =	sadd.s32 s0, s3;
	s0 =	sld [smem:$0x3FA9]  }
0x30: {  	s3 =	sld [smem:$0x3FAC]  }
0x31: {  	[smem:$0x3FB5] =	sst s10  }
0x32: {  	s10 =	sld [smem:$0x3FB3];
	_ =	sdelay $0x3  }
0x33: {  	p0 =	seq.s32 s10, $0x1;
	s10 =	sld [smem:$0x3FB5];
	_ =	sdelay $0x3  }
0x34: {  	[smem:$0x3FB5] =	sst s10  }
0x35: {  	s10 =	sld [smem:$0x3FB4];
	_ =	sdelay $0x3  }
0x36: {  	p1 =	seq.s32 s10, $0x1;
	s10 =	sld [smem:$0x3FB5];
	_ =	sdelay $0x3  }
0x37: {  	[smem:$0x3FB5] =	sst s10  }
0x38: {  	s10 =	sld [smem:$0x3FB6]  }
0x39: {  	_ = 	snop;
	(pc) =	sbr.ind lr, $3  }
0x3a: {  	_ = 	snop  }
0x3b: {  	_ = 	snop  }
0x3c: {  	p2 =	seq.s32 s10, $0x1;
	s10 =	sld [smem:$0x3FB5]  }
0x3d: {  	_ =	shalt  }
0x3e: {  	_ =	shalt  }
0x3f: {  	_ =	shalt  }
0x40: {  	_ =	shalt  }
0x41: {  	_ =	shalt  }
0x42: {  	_ =	shalt  }
0x43: {  	_ =	shalt  }
0x44: {  	_ =	shalt  }
0x45: {  	_ =	shalt  }
0x46: {  	_ =	shalt  }
0x47: {  	_ =	shalt  }
0x48: {  	_ =	shalt  }
0x49: {  	_ =	shalt  }
0x4a: {  	_ =	shalt  }
0x4b: {  	_ =	shalt  }
0x4c: {  	_ =	shalt  }
0x4d: {  	_ =	shalt  }
0x4e: {  	_ =	shalt  }
0x4f: {  	_ =	shalt  }
0x50: {  	_ =	shalt  }
0x51: {  	_ =	shalt  }
0x52: {  	_ =	shalt  }
0x53: {  	_ =	shalt  }
0x54: {  	_ =	shalt  }
0x55: {  	_ =	shalt  }
0x56: {  	_ =	shalt  }
0x57: {  	_ =	shalt  }
0x58: {  	_ =	shalt  }
0x59: {  	_ =	shalt  }
0x5a: {  	_ =	shalt  }
0x5b: {  	_ =	shalt  }
0x5c: {  	_ =	shalt  }
0x5d: {  	_ =	shalt  }
0x5e: {  	_ =	shalt  }
0x5f: {  	_ =	shalt  }
0x60: {  	_ =	shalt  }
0x61: {  	_ =	shalt  }
0x62: {  	_ =	shalt  }
0x63: {  	_ =	shalt  }
0x64: {  	_ =	shalt  }
0x65: {  	_ =	shalt  }
0x66: {  	_ =	shalt  }
0x67: {  	_ =	shalt  }
0x68: {  	_ =	shalt  }
0x69: {  	_ =	shalt  }
0x6a: {  	_ =	shalt  }
0x6b: {  	_ =	shalt  }
0x6c: {  	_ =	shalt  }
0x6d: {  	_ =	shalt  }
0x6e: {  	_ =	shalt  }
0x6f: {  	_ =	shalt  }
0x70: {  	_ =	shalt  }
0x71: {  	_ =	shalt  }
0x72: {  	_ =	shalt  }
0x73: {  	_ =	shalt  }
0x74: {  	_ =	shalt  }
0x75: {  	_ =	shalt  }
0x76: {  	_ =	shalt  }
0x77: {  	_ =	shalt  }
0x78: {  	_ =	shalt  }
0x79: {  	_ =	shalt  }
0x7a: {  	_ =	shalt  }
0x7b: {  	_ =	shalt  }
0x7c: {  	_ =	shalt  }
0x7d: {  	_ =	shalt  }
0x7e: {  	_ =	shalt  }
0x7f: {  	_ =	shalt  }
0x80: {  	_ =	shalt  }
0x81: {  	_ =	shalt  }
0x82: {  	_ =	shalt  }
0x83: {  	_ =	shalt  }
0x84: {  	_ =	shalt  }
0x85: {  	_ =	shalt  }
0x86: {  	_ =	shalt  }
0x87: {  	_ =	shalt  }
.Lfunc_end0:
.L_simem_size_0:
called_computation_lowered:
.L_overlay_start_0:
0x88: {  	s2 =	sld [smem:$0x3FD9]  }
0x89: {  	s3 =	sld [smem:$0x3FFE];
	_ =	sdelay $0x1  }
0x8a: {  	s1 =	srdreg.scid  }
0x8b: {  	s0 =	sand.u32 $0x1, s1  }
0x8c: {  	s17 =	sshll.u32 s0, $0xA;
	s2 =	sadd.s32 s3, s2  }
0x8d: {  	s2 =	sadd.s32 s2, s17  }
0x8e: {  	[smem:$0x3FC1] =	sst s2  }
0x8f: {  	_ = 	snop  }
0x90: {  	s2 =	sld [smem:$0x3FD0];
	(tm) =	ssettm $0x1  }
0x91: {  	s18 =	sld [smem:$0x3FFB];
	_ =	sdelay $0x3  }
0x92: {  	_ =	strace s18  }
0x93: {  	s3 =	sld [smem:$0x3FFC];
	_ =	sdelay $0x3  }
0x94: {  	_ =	strace s3  }
0x95: {  	s3 =	sld [smem:$0x3FFD];
	_ =	sdelay $0x3  }
0x96: {  	_ =	strace s3  }
0x97: {  	_ =	strace $0x8FFFFFFF  }
0x98: {  	s19 =	sld [smem:$0x3FDB];
	_ =	sdelay $0x1  }
0x99: {  	s4 =	simm.s32 $_scs_section_size  }
0x9a: {  	s5 =	simm.s32 $_size__tile_overlayer_lowered;
	s6 =	simm.s32 $_tile_overlayer_lowered  }
0x9b: {  	s22 =	simm.s32 $0x1BFF;
	s21 =	sshll.u32 s6, $0x1;
	s3 =	sadd.s32 s4, s19  }
0x9c: {  	s7 =	simm.s32 $0x0;
	s20 =	sshll.u32 s5, $0x1;
	s5 =	sadd.s32 s21, s3  }
0x9d: {  	[timem:s7], [sflag:s22] =	dma.local [hbm:s5], s20  }
0x9e: {  	_ =	swait.ge [sflag:s22], s20  }
0x9f: {  	s4 =	ssub.s32 $0x0, s20;
	[sflag:s22] =	ssyncset.done $0x0  }
0xa0: {  	[sflag:s22] =	ssyncadd.s32 s4;
	_ =	sdelay $0x1  }
0xa1: {  	s23 =	simm.s32 $0x1B8B  }
0xa2: {  	_ =	swait.ge [sflag:s23], $0x1  }
0xa3: {  	[sflag:s23] =	ssyncset.done $0x0  }
0xa4: {  	s25 =	simm.s32 $0x1B8E;
	s24 =	sld [smem:$0x3FFE];
	[sflag:s23] =	ssyncadd.s32 $0xFFFFFFFF  }
0xa5: {  	s26 =	simm.s32 $execute0_lowered;
	[smem:$0x3FD2] =	sst s25  }
0xa6: {  	s5 =	sshll.u32 s26, $0x1;
	_ =	strace $0x80000046;
	[dreg:$0x1] =	wrdreg $0xFFFFFFFF  }
0xa7: {  	s28 =	simm.s32 $_size_execute0_lowered;
	s3 =	sadd.s32 s3, s5;
	[dreg:$0x0] =	wrdreg $0x0  }
0xa8: {  	s5 =	sshll.u32 s28, $0x1;
	[dreg:$0x2] =	wrdreg s3  }
0xa9: {  	[dreg:$0x3] =	wrdreg s5  }
0xaa: {  	[dreg:$0x4] =	wrdreg $0xC0  }
0xab: {  	_ =	task [dreg:s7], $0x5FFFF  }
0xac: {  	[dreg:$0x1] =	wrdreg $0xFFFFFFFF  }
0xad: {  	[dreg:$0x0] =	wrdreg $0x60  }
0xae: {  	[dreg:$0x2] =	wrdreg s2  }
0xaf: {  	[dreg:$0x3] =	wrdreg s24  }
0xb0: {  	[dreg:$0x4] =	wrdreg $0x9  }
0xb1: {  	_ =	task.clear_ibuf [dreg:s7], $0x5FFFF;
	_ =	strace $0x90000046  }
0xb2: {  	s29 =	simm.s32 $0x9;
	_ =	strace $0x80000048  }
0xb3: {  	_ =	swait.ge [sflag:s29], $0x1  }
0xb4: {  	[sflag:s29] =	ssyncadd.s32 $0xFFFFFFFF  }
0xb5: {  	_ =	strace $0x90000048  }
0xb6: {  	_ =	sfence  }
0xb7: {  	s30 =	sld [smem:$0x0];
	_ =	sdelay $0x2  }
0xb8: {  	s31 =	sshll.u32 s1, $0xD;
	s1 =	sshrl.u32 s1, $0x2  }
0xb9: {  	s3 =	sand.u32 $0x4000, s31;
	s1 =	sadd.s32 s1, s30  }
0xba: {  	s0 =	sor.u32 s3, s0;
	s1 =	sshll.u32 s1, $0x11  }
0xbb: {  	s0 =	sor.u32 s1, s0  }
0xbc: {  	s0 =	sadd.s32 $0x8F2B, s0  }
0xbd: {  	[sflag:s0] =	ssyncadd.remote.s32 $0x1  }
0xbe: {  	_ =	sfence.sel $0xFFFF  }
0xbf: {  	[dreg:$0x0] =	wrdreg $0xFFFFFFFF;
	(pc) =	sbr.abs _section_cstart, $3  }
0xc0: {  	[dreg:$0x1] =	wrdreg $0xFFFFFFFF  }
0xc1: {  	_ =	task.clear_ibuf [dreg:s7], $0x2FFFF;
	_ =	strace $0x9FFFFFFF  }
0xc2: {  	(tm) =	ssettm $0x7FFFFFFF  }
0xc3: {  	_ =	shalt  }
tec
execute0_lowered:
.L_overlay_start_1:
0x0: {  	(tag) =	ssettag $0x1  }
0x1: {  	s1 =	rddreg [dreg:$0x0]  }
0x2: {  	s5 =	rddreg [dreg:$0x1]  }
0x3: {  	s0 =	rddreg [dreg:$0x2];
	s2 =	simm.s32 $0x0  }
0x4: {  	s6 =	srdreg.scid;
	s3 =	stileid.u32;
	s13 =	simm.s32 $0x100  }
0x5: {  	s14 =	simm.s32 $0x8100;
	s15 =	simm.s32 $0x4100;
	s16 =	simm.s32 $0xC100  }
0x6: {  	s17 =	simm.s32 $0x1;
	s18 =	simm.s32 $0x3;
	s19 =	simm.s32 $0x2  }
0x7: {  	s20 =	simm.s32 $0x4;
	s21 =	simm.s32 $0x0;
	[smem:$0x7FF] =	sst s2  }
0x8: {  	s4 =	sadd.s32 $0x4C00, s5;
	s7 =	sand.u32 $0x1, s6;
	s10 =	sadd.s32 $0xC00, s5  }
0x9: {  	s26 =	sshll.u32 s3, $0xD;
	s9 =	sshll.u32 s3, $0x11;
	_ =	strace $0x80000047  }
0xa: {  	s8 =	sshll.u32 s7, $0xC;
	s11 =	ssub.s32 $0x2, s7;
	s9 =	sadd.s32 s9, s5  }
0xb: {  	s30 =	sshll.u32 s7, $0x10;
	s8 =	sor.u32 s8, s26;
	s28 =	sshrl.u32 s11, $0x1  }
0xc: {  	s9 =	sadd.s32 s30, s9;
	s6 =	sshrl.u32 s8, $0x3;
	s11 =	ssub.s32 s11, s28  }
0xd: {  	s12 =	sor.u32 $0x100, s8;
	s31 =	sor.u32 $0x80, s8;
	s8 =	sadd.s32 $0x224C00, s9  }
0xe: {  	s9 =	sadd.s32 $0x24C00, s9;
	s5 =	sadd.s32 s10, s6;
	s6 =	smax.u32 s11, $0x1  }
0xf: {  	s29 =	sshrl.u32 s12, $0x3;
	s11 =	sshrl.u32 s31, $0x3;
	s12 =	simm.s32 $0x80  }
0x10: {  	s7 =	sadd.s32 s29, s10;
	s10 =	sadd.s32 s11, s10;
	s11 =	simm.s32 $0x5  }
.LBB2_1:
0x11: {  	[tilespmem:s2], [sflag:$0x5] =	stream.linear.gather [hbm4b:s5+s2], $0x80, $0x38;
	[tilespmem:$0x10100] =	vst v63  }
0x12: {  	_ =	swait.ge [sflag:s11], $0x80  }
0x13: {  	[sflag:s11] =	ssyncset.done $0x0  }
0x14: {  	p0 =	por $0x1, $0x1;
	[sflag:s11] =	ssyncadd.s32 $0xFFFFFF80  }
0x15: {  	[tilespmem:s13], [sflag:$0x1] =	stream.indirect.gather [hbm4b:s1+s12], $0x80, s2, s12, $0xb8;
	[tilespmem:$0x10100] =	vst v63  }
0x16: {  	s22 =	simm.s32 @!p0 $0x4  }
0x17: {  	[tilespmem:s14], [sflag:$0x1] =	stream.indirect.gather [hbm4b:s4+s12], $0x80, s2, s12, $0xb8;
	[tilespmem:$0x10100] =	vst v63  }
0x18: {  	_ =	swait.ge @!p0 [sflag:s22], $0x4000  }
0x19: {  	[sflag:s22] =	ssyncset.done @!p0 $0x0  }
0x1a: {  	[sflag:s22] =	ssyncadd.s32 @!p0 $0xFFFFC000  }
0x1b: {  	_ =	swait.ge @!p0 [sflag:s22], $0x4000  }
0x1c: {  	[sflag:s22] =	ssyncset.done @!p0 $0x0  }
0x1d: {  	[sflag:s22] =	ssyncadd.s32 @!p0 $0xFFFFC000  }
0x1e: {  	[tilespmem:s12], [sflag:$0x5] =	stream.linear.gather [hbm4b:s10+s2], $0x80, $0x38;
	[tilespmem:$0x10100] =	vst v63  }
0x1f: {  	_ =	swait.ge [sflag:s11], $0x80  }
0x20: {  	[sflag:s11] =	ssyncset.done $0x0  }
0x21: {  	[sflag:s11] =	ssyncadd.s32 $0xFFFFFF80  }
0x22: {  	[tilespmem:s15], [sflag:$0x2] =	stream.indirect.gather [hbm4b:s1+s12], $0x80, s12, s12, $0xb8;
	[tilespmem:$0x10100] =	vst v63  }
0x23: {  	_ = 	snop  }
0x24: {  	[tilespmem:s16], [sflag:$0x2] =	stream.indirect.gather [hbm4b:s4+s12], $0x80, s12, s12, $0xb8;
	[tilespmem:$0x10100] =	vst v63  }
0x25: {  	_ =	swait.ge [sflag:s17], $0x4000  }
0x26: {  	[sflag:s17] =	ssyncset.done $0x0  }
0x27: {  	[sflag:s17] =	ssyncadd.s32 $0xFFFFC000  }
0x28: {  	_ =	swait.ge [sflag:s17], $0x4000  }
0x29: {  	[sflag:s17] =	ssyncset.done $0x0  }
0x2a: {  	s31 =	sadd.s32 $0x0, s9;
	[sflag:s17] =	ssyncadd.s32 $0xFFFFC000  }
0x2b: {  	[hbm4b:s31+s2] =	stream.linear.scatter [tilespmem:s13], [sflag:$0x3], $0x4000, $0x38;
	[tilespmem:$0x10100] =	vst v63  }
0x2c: {  	s23 =	sadd.s32 $0x0, s8  }
0x2d: {  	[hbm4b:s23+s2] =	stream.linear.scatter [tilespmem:s14], [sflag:$0x3], $0x4000, $0x38;
	[tilespmem:$0x10100] =	vst v63  }
0x2e: {  	_ =	swait.ge [sflag:s18], $0x4000  }
0x2f: {  	[sflag:s18] =	ssyncset.done $0x0  }
0x30: {  	[sflag:s18] =	ssyncadd.s32 $0xFFFFC000  }
0x31: {  	_ =	swait.ge [sflag:s18], $0x4000  }
0x32: {  	p0 =	por $0x0, $0x0;
	[sflag:s18] =	ssyncset.done $0x0  }
0x33: {  	s24 =	simm.s32 @!p0 $0x0;
	s25 =	simm.s32 @!p0 $0x5;
	[sflag:s18] =	ssyncadd.s32 $0xFFFFC000  }
0x34: {  	[tilespmem:s24], [sflag:$0x5] =	stream.linear.gather @!p0 [hbm4b:s7+s24], $0x80, $0x38;
	[tilespmem:$0x10100] =	vst v63  }
0x35: {  	_ =	swait.ge @!p0 [sflag:s25], $0x80  }
0x36: {  	[sflag:s25] =	ssyncset.done @!p0 $0x0  }
0x37: {  	s26 =	simm.s32 @!p0 $0x100;
	[sflag:s25] =	ssyncadd.s32 @!p0 $0xFFFFFF80;
	s25 =	simm.s32 @!p0 $0x80  }
0x38: {  	[tilespmem:s26], [sflag:$0x1] =	stream.indirect.gather @!p0 [hbm4b:s1+s25], $0x80, s24, s25, $0xb8;
	[tilespmem:$0x10100] =	vst v63  }
0x39: {  	s26 =	simm.s32 @!p0 $0x8100  }
0x3a: {  	[tilespmem:s26], [sflag:$0x1] =	stream.indirect.gather @!p0 [hbm4b:s4+s25], $0x80, s24, s25, $0xb8;
	[tilespmem:$0x10100] =	vst v63  }
0x3b: {  	_ =	swait.ge [sflag:s19], $0x4000  }
0x3c: {  	[sflag:s19] =	ssyncset.done $0x0  }
0x3d: {  	[sflag:s19] =	ssyncadd.s32 $0xFFFFC000  }
0x3e: {  	_ =	swait.ge [sflag:s19], $0x4000  }
0x3f: {  	p1 =	por $0x0, $0x0;
	s22 =	sadd.s32 $0x800, s31;
	[sflag:s19] =	ssyncset.done $0x0  }
0x40: {  	s25 =	simm.s32 $0x2000;
	s26 =	sadd.s32 $0x800, s23;
	[sflag:s19] =	ssyncadd.s32 $0xFFFFC000  }
0x41: {  	[hbm4b:s22+s2] =	stream.linear.scatter [tilespmem:s15], [sflag:$0x4], $0x4000, $0x38;
	[tilespmem:$0x10100] =	vst v63  }
0x42: {  	s24 =	sadd.s32 $0x20, s10;
	s23 =	smov.u32 s7;
	s22 =	simm.s32 $0x1000  }
.LBB2_2:
0x43: {  	s28 =	simm.s32 @!p1 $0x4  }
0x44: {  	s23 =	sadd.s32 $0x20, s23;
	s29 =	smov.u32 s25;
	s25 =	sadd.s32 $0x1000, s25  }
0x45: {  	[hbm4b:s26+s2] =	stream.linear.scatter [tilespmem:s16], [sflag:$0x4], $0x4000, $0x38;
	[tilespmem:$0x10100] =	vst v63  }
0x46: {  	p0 =	sne.s32 s25, $0x10000;
	_ =	swait.ge @!p1 [sflag:s28], $0x4000  }
0x47: {  	[sflag:s28] =	ssyncset.done @!p1 $0x0  }
0x48: {  	[sflag:s28] =	ssyncadd.s32 @!p1 $0xFFFFC000  }
0x49: {  	_ =	swait.ge @!p1 [sflag:s28], $0x4000  }
0x4a: {  	[sflag:s28] =	ssyncset.done @!p1 $0x0  }
0x4b: {  	[sflag:s28] =	ssyncadd.s32 @!p1 $0xFFFFC000  }
0x4c: {  	[tilespmem:s12], [sflag:$0x5] =	stream.linear.gather [hbm4b:s24+s2], $0x80, $0x38;
	[tilespmem:$0x10100] =	vst v63  }
0x4d: {  	_ =	swait.ge [sflag:s11], $0x80  }
0x4e: {  	[sflag:s11] =	ssyncset.done $0x0  }
0x4f: {  	[sflag:s11] =	ssyncadd.s32 $0xFFFFFF80  }
0x50: {  	[tilespmem:s15], [sflag:$0x2] =	stream.indirect.gather [hbm4b:s1+s12], $0x80, s12, s12, $0xb8;
	[tilespmem:$0x10100] =	vst v63  }
0x51: {  	_ = 	snop  }
0x52: {  	[tilespmem:s16], [sflag:$0x2] =	stream.indirect.gather [hbm4b:s4+s12], $0x80, s12, s12, $0xb8;
	[tilespmem:$0x10100] =	vst v63  }
0x53: {  	_ =	swait.ge [sflag:s17], $0x4000  }
0x54: {  	[sflag:s17] =	ssyncset.done $0x0  }
0x55: {  	[sflag:s17] =	ssyncadd.s32 $0xFFFFC000  }
0x56: {  	_ =	swait.ge [sflag:s17], $0x4000  }
0x57: {  	[sflag:s17] =	ssyncset.done $0x0  }
0x58: {  	s28 =	sadd.s32 s22, s9;
	[sflag:s17] =	ssyncadd.s32 $0xFFFFC000  }
0x59: {  	[hbm4b:s28+s2] =	stream.linear.scatter [tilespmem:s13], [sflag:$0x3], $0x4000, $0x38;
	[tilespmem:$0x10100] =	vst v63  }
0x5a: {  	s26 =	sadd.s32 s22, s8  }
0x5b: {  	[hbm4b:s26+s2] =	stream.linear.scatter [tilespmem:s14], [sflag:$0x3], $0x4000, $0x38;
	[tilespmem:$0x10100] =	vst v63  }
0x5c: {  	_ =	swait.ge [sflag:s18], $0x4000  }
0x5d: {  	[sflag:s18] =	ssyncset.done $0x0  }
0x5e: {  	[sflag:s18] =	ssyncadd.s32 $0xFFFFC000  }
0x5f: {  	_ =	swait.ge [sflag:s18], $0x4000  }
0x60: {  	p1 =	seq.s32 s22, $0xF000;
	s22 =	smov.u32 s29;
	[sflag:s18] =	ssyncset.done $0x0  }
0x61: {  	s29 =	simm.s32 @!p1 $0x0;
	s30 =	simm.s32 @!p1 $0x5;
	[sflag:s18] =	ssyncadd.s32 $0xFFFFC000  }
0x62: {  	[tilespmem:s29], [sflag:$0x5] =	stream.linear.gather @!p1 [hbm4b:s23+s29], $0x80, $0x38;
	[tilespmem:$0x10100] =	vst v63  }
0x63: {  	_ =	swait.ge @!p1 [sflag:s30], $0x80  }
0x64: {  	[sflag:s30] =	ssyncset.done @!p1 $0x0  }
0x65: {  	s31 =	simm.s32 @!p1 $0x100;
	[sflag:s30] =	ssyncadd.s32 @!p1 $0xFFFFFF80;
	s30 =	simm.s32 @!p1 $0x80  }
0x66: {  	[tilespmem:s31], [sflag:$0x1] =	stream.indirect.gather @!p1 [hbm4b:s1+s30], $0x80, s29, s30, $0xb8;
	[tilespmem:$0x10100] =	vst v63  }
0x67: {  	s31 =	simm.s32 @!p1 $0x8100  }
0x68: {  	[tilespmem:s31], [sflag:$0x1] =	stream.indirect.gather @!p1 [hbm4b:s4+s30], $0x80, s29, s30, $0xb8;
	[tilespmem:$0x10100] =	vst v63  }
0x69: {  	_ =	swait.ge [sflag:s19], $0x4000  }
0x6a: {  	[sflag:s19] =	ssyncset.done $0x0  }
.Ltmp0:
0x6b: {  	[sflag:s19] =	ssyncadd.s32 $0xFFFFC000;
	(pc) =	sbr.rel @p0 .LBB2_2-.Ltmp0, $4  }
0x6c: {  	_ =	swait.ge [sflag:s19], $0x4000  }
0x6d: {  	s24 =	sadd.s32 $0x20, s24;
	s26 =	sadd.s32 $0x800, s26;
	[sflag:s19] =	ssyncset.done $0x0  }
0x6e: {  	s28 =	sadd.s32 $0x800, s28;
	p1 =	seq.s32 s22, $0x0;
	[sflag:s19] =	ssyncadd.s32 $0xFFFFC000  }
0x6f: {  	[hbm4b:s28+s2] =	stream.linear.scatter [tilespmem:s15], [sflag:$0x4], $0x4000, $0x38;
	[tilespmem:$0x10100] =	vst v63  }
0x70: {  	s25 =	simm.s32 @!p1 $0x4  }
0x71: {  	[hbm4b:s26+s2] =	stream.linear.scatter [tilespmem:s16], [sflag:$0x4], $0x4000, $0x38;
	[tilespmem:$0x10100] =	vst v63  }
0x72: {  	_ =	swait.ge @!p1 [sflag:s25], $0x4000  }
0x73: {  	[sflag:s25] =	ssyncset.done @!p1 $0x0  }
0x74: {  	[sflag:s25] =	ssyncadd.s32 @!p1 $0xFFFFC000  }
0x75: {  	_ =	swait.ge @!p1 [sflag:s25], $0x4000  }
0x76: {  	[sflag:s25] =	ssyncset.done @!p1 $0x0  }
0x77: {  	[sflag:s25] =	ssyncadd.s32 @!p1 $0xFFFFC000  }
0x78: {  	[tilespmem:s12], [sflag:$0x5] =	stream.linear.gather [hbm4b:s24+s2], $0x80, $0x38;
	[tilespmem:$0x10100] =	vst v63  }
0x79: {  	_ =	swait.ge [sflag:s11], $0x80  }
0x7a: {  	[sflag:s11] =	ssyncset.done $0x0  }
0x7b: {  	[sflag:s11] =	ssyncadd.s32 $0xFFFFFF80  }
0x7c: {  	[tilespmem:s15], [sflag:$0x2] =	stream.indirect.gather [hbm4b:s1+s12], $0x80, s12, s12, $0xb8;
	[tilespmem:$0x10100] =	vst v63  }
0x7d: {  	_ = 	snop  }
0x7e: {  	[tilespmem:s16], [sflag:$0x2] =	stream.indirect.gather [hbm4b:s4+s12], $0x80, s12, s12, $0xb8;
	[tilespmem:$0x10100] =	vst v63  }
0x7f: {  	_ =	swait.ge [sflag:s17], $0x4000  }
0x80: {  	[sflag:s17] =	ssyncset.done $0x0  }
0x81: {  	[sflag:s17] =	ssyncadd.s32 $0xFFFFC000  }
0x82: {  	_ =	swait.ge [sflag:s17], $0x4000  }
0x83: {  	[sflag:s17] =	ssyncset.done $0x0  }
0x84: {  	s28 =	sadd.s32 s22, s9;
	[sflag:s17] =	ssyncadd.s32 $0xFFFFC000  }
0x85: {  	[hbm4b:s28+s2] =	stream.linear.scatter [tilespmem:s13], [sflag:$0x3], $0x4000, $0x38;
	[tilespmem:$0x10100] =	vst v63  }
0x86: {  	s29 =	sadd.s32 s22, s8  }
0x87: {  	[hbm4b:s29+s2] =	stream.linear.scatter [tilespmem:s14], [sflag:$0x3], $0x4000, $0x38;
	[tilespmem:$0x10100] =	vst v63  }
0x88: {  	_ =	swait.ge [sflag:s18], $0x4000  }
0x89: {  	[sflag:s18] =	ssyncset.done $0x0  }
0x8a: {  	[sflag:s18] =	ssyncadd.s32 $0xFFFFC000  }
0x8b: {  	_ =	swait.ge [sflag:s18], $0x4000  }
0x8c: {  	s23 =	sadd.s32 $0x20, s23;
	p0 =	seq.s32 s22, $0xF000;
	[sflag:s18] =	ssyncset.done $0x0  }
0x8d: {  	s22 =	simm.s32 @!p0 $0x0;
	s26 =	simm.s32 @!p0 $0x5;
	[sflag:s18] =	ssyncadd.s32 $0xFFFFC000  }
0x8e: {  	[tilespmem:s22], [sflag:$0x5] =	stream.linear.gather @!p0 [hbm4b:s23+s22], $0x80, $0x38;
	[tilespmem:$0x10100] =	vst v63  }
0x8f: {  	_ =	swait.ge @!p0 [sflag:s26], $0x80  }
0x90: {  	[sflag:s26] =	ssyncset.done @!p0 $0x0  }
0x91: {  	s23 =	simm.s32 @!p0 $0x80;
	[sflag:s26] =	ssyncadd.s32 @!p0 $0xFFFFFF80;
	s26 =	simm.s32 @!p0 $0x100  }
0x92: {  	[tilespmem:s26], [sflag:$0x1] =	stream.indirect.gather @!p0 [hbm4b:s1+s23], $0x80, s22, s23, $0xb8;
	[tilespmem:$0x10100] =	vst v63  }
0x93: {  	s26 =	simm.s32 @!p0 $0x8100  }
0x94: {  	[tilespmem:s26], [sflag:$0x1] =	stream.indirect.gather @!p0 [hbm4b:s4+s23], $0x80, s22, s23, $0xb8;
	[tilespmem:$0x10100] =	vst v63  }
0x95: {  	_ =	swait.ge [sflag:s19], $0x4000  }
0x96: {  	[sflag:s19] =	ssyncset.done $0x0  }
0x97: {  	[sflag:s19] =	ssyncadd.s32 $0xFFFFC000  }
0x98: {  	_ =	swait.ge [sflag:s19], $0x4000  }
0x99: {  	[sflag:s19] =	ssyncset.done $0x0  }
0x9a: {  	s30 =	sadd.s32 $0x800, s28;
	[sflag:s19] =	ssyncadd.s32 $0xFFFFC000  }
0x9b: {  	[hbm4b:s30+s2] =	stream.linear.scatter [tilespmem:s15], [sflag:$0x4], $0x4000, $0x38;
	[tilespmem:$0x10100] =	vst v63  }
0x9c: {  	s21 =	sadd.s32 $0x1, s21;
	s31 =	sadd.s32 $0x800, s29  }
0x9d: {  	[hbm4b:s31+s2] =	stream.linear.scatter [tilespmem:s16], [sflag:$0x4], $0x4000, $0x38;
	[tilespmem:$0x10100] =	vst v63  }
0x9e: {  	p0 =	sne.s32 s21, s6;
	_ =	swait.ge [sflag:s20], $0x4000  }
.Ltmp1:
0x9f: {  	[sflag:s20] =	ssyncset.done $0x0;
	(pc) =	sbr.rel @p0 .LBB2_1-.Ltmp1, $4  }
0xa0: {  	[sflag:s20] =	ssyncadd.s32 $0xFFFFC000  }
0xa1: {  	_ =	swait.ge [sflag:s20], $0x4000  }
0xa2: {  	[sflag:s20] =	ssyncset.done $0x0  }
0xa3: {  	[sflag:s20] =	ssyncadd.s32 $0xFFFFC000  }
0xa4: {  	_ =	sfence.sel $0x180000  }
0xa5: {  	[bflag:$0x0] =	sbarrier.arrive $0xFFFF  }
0xa6: {  	p0 =	sne.s32 s3, $0x0;
	_ =	strace $0x90000047  }
0xa7: {  	s0 =	sadd.s32 @!p0 $0x100000, s0;
	[bflag:$0x2] =	sbarrier.arrive $0xFFFF  }
0xa8: {  	[sflag:s0] =	ssyncadd.tile.s32 @!p0 $0x1;
	_ =	shalt  }
.Lfunc_end2:
_tile_overlayer_lowered:
.L_overlay_start_2:
0xa9: {  	(tag) =	ssettag $0x2  }
0xaa: {  	s0 =	rddreg [dreg:$0x0];
	s2 =	stileid.u32  }
0xab: {  	s1 =	rddreg [dreg:$0x1];
	p0 =	sne.s32 s2, $0x0  }
0xac: {  	s3 =	rddreg [dreg:$0x2];
	[bflag:$0x3] =	sbarrier.arrive $0xFFFF;
	s2 =	simm.s32 @!p0 $0x1C05  }
0xad: {  	[timem:s3], [sflag:s2] =	dma.local @!p0 [hbm:s0], s1  }
0xae: {  	s0 =	simm.s32 @!p0 $0x5  }
0xaf: {  	_ =	swait.ge @!p0 [sflag:s0], s1  }
0xb0: {  	s1 =	ssub.s32 @!p0 $0x0, s1;
	[sflag:s0] =	ssyncset.done @!p0 $0x0  }
0xb1: {  	[sflag:s0] =	ssyncadd.s32 @!p0 s1  }
0xb2: {  	[bflag:$0x3] =	sbarrier.arrive $0xFFFF  }
0xb3: {  	_ =	shalt  }

</sc_bundles>
